<compile_context>
chip_gen: v7x
topology: tpu7x:2x2x1
jax: 0.10.2.dev20260603
libtpu: 0.0.44.dev20260713+nightly
codegen_flags: <defaults>
</compile_context>

<pallas_src>
import jax
import jax.numpy as jnp
from jax import lax
from jax.experimental import pallas as pl
from jax.experimental.pallas import tpu as pltpu
from jax.experimental.pallas import tpu_sc as plsc

_NC = 2
_NS = 16
_NW = _NC * _NS
_L = 16

_B, _C, _H, _W = 8, 96, 512, 128
_P = _B * _C
_PPW = _P // _NW
_HALF = 32768
_OHALF = 8192
_NH = 2 * _PPW
_GROUPS = _HALF // 512


def _half_stencil(in_v, out_v):
    iota = lax.iota(jnp.int32, _L)
    ev = iota * 2

    consts = []
    for jb in range(4):
        ce = ev + (32 * jb)
        co = ce + 1
        consts.append((ce, co, co + 128, co + 256,
                       ce + 128, ce + 256, ce + 384, co + 384))

    @plsc.parallel_loop(0, _GROUPS, unroll=2)
    def row_body(i):
        grp = in_v.at[pl.ds(i * 512, 512)]
        for jb in range(4):
            ce, co, co1, co2, ce1, ce2, ce3, co3 = consts[jb]
            a = plsc.load_gather(grp, [ce])
            b = plsc.load_gather(grp, [co])
            c = plsc.load_gather(grp, [co1])
            d = plsc.load_gather(grp, [co2])
            out_v[2 * i, pl.ds(16 * jb, _L)] = jnp.maximum(
                jnp.maximum(a, b), jnp.maximum(c, d))
            e = plsc.load_gather(grp, [ce1])
            f = plsc.load_gather(grp, [ce2])
            g = plsc.load_gather(grp, [ce3])
            h = plsc.load_gather(grp, [co3])
            out_v[2 * i + 1, pl.ds(16 * jb, _L)] = jnp.maximum(
                jnp.maximum(e, f), jnp.maximum(g, h))


def _sc_body(in_hbm, out_hbm, in_bufs, out_bufs, in_sems, out_sems):
    wid = lax.axis_index("s") * _NC + lax.axis_index("c")
    ibase = wid * (_NH * _HALF)
    pbase = wid * _PPW

    def in_slice(k, b):
        return in_hbm.at[pl.ds(ibase + (2 * k + b) * _HALF, _HALF)]

    def out_slice(k, b):
        return out_hbm.at[pbase + k, pl.ds(b * 128, 128), :]

    for b in range(2):
        pltpu.async_copy(in_slice(0, b), in_bufs[b], in_sems[b])

    def pair_body(k, carry):
        for b in range(2):
            in_v, out_v = in_bufs[b], out_bufs[b]
            pltpu.make_async_copy(in_slice(k, b), in_v, in_sems[b]).wait()

            @pl.when(k > 0)
            def _wait_out():
                pltpu.make_async_copy(out_v, out_slice(k - 1, b),
                                      out_sems[b]).wait()

            _half_stencil(in_v, out_v)
            pltpu.async_copy(out_v, out_slice(k, b), out_sems[b])

            @pl.when(k < _PPW - 1)
            def _prefetch():
                pltpu.async_copy(in_slice(k + 1, b), in_v, in_sems[b])
        return carry

    lax.fori_loop(0, _PPW, pair_body, 0)

    for b in range(2):
        pltpu.make_async_copy(out_bufs[b], out_slice(_PPW - 1, b),
                              out_sems[b]).wait()


_sc_pool = pl.kernel(
    _sc_body,
    out_type=jax.ShapeDtypeStruct((_P, _H // 2, _W // 2), jnp.float32),
    mesh=plsc.VectorSubcoreMesh(core_axis_name="c", subcore_axis_name="s"),
    scratch_types=[
        [pltpu.VMEM((_HALF,), jnp.float32) for _ in range(2)],
        [pltpu.VMEM((128, _W // 2), jnp.float32) for _ in range(2)],
        [pltpu.SemaphoreType.DMA for _ in range(2)],
        [pltpu.SemaphoreType.DMA for _ in range(2)],
    ],
    compiler_params=pltpu.CompilerParams(needs_layout_passes=False),
)


def kernel(input, level):
    del level
    x = input.reshape(_P * _H * _W)
    out = _sc_pool(x)
    return out.reshape(_B, _C, _H // 2, _W // 2)

# --- scband reference (transcript-rebuilt; emitter-appended) ---
"""Pipeline reference for scband-pooling-4011499454758 (READ-ONLY COPY).

The authoritative reference and input builder live on the scoring server;
editing this copy changes nothing except your own understanding.
"""

import jax, jax.numpy as jnp
import numpy as np
import itertools


def _lookup(level):
    dict1, dict2, dict3, dict4 = [], [], [], []
    for i in range(2 ** level):
        for j in range(2 ** (level - 1)):
            dict1.append([4 * i + 1, 4 * i + 2])
            dict2.append([2 * j, 2 * j + 1])
            dict3.append([4 * i + 2, 4 * i + 1])
            dict4.append([2 * j + 1, 2 * j])
    x1 = jnp.array(list(itertools.chain(*dict1)), dtype=jnp.int32)
    y1 = jnp.array(list(itertools.chain(*dict2)), dtype=jnp.int32)
    x2 = jnp.array(list(itertools.chain(*dict3)), dtype=jnp.int32)
    y2 = jnp.array(list(itertools.chain(*dict4)), dtype=jnp.int32)
    return x1, y1, x2, y2


def _maxpool2x2(x):
    return jax.lax.reduce_window(
        x,
        -jnp.inf,
        jax.lax.max,
        window_dimensions=(1, 1, 2, 2),
        window_strides=(1, 1, 2, 2),
        padding='VALID',
    )


def setup_inputs(seed: int = 0) -> dict:
    key = jax.random.key(seed)
    inp = jax.random.normal(key, (8, 96, 512, 128), dtype=jnp.float32)
    return {"input": inp, "level": 7}


def reference(input, level):
    x1, y1, x2, y2 = _lookup(7)
    zero = (jnp.asarray(level, dtype=jnp.int32) * jnp.int32(0))
    x1 = x1 + zero
    y1 = y1 + zero
    x2 = x2 + zero
    y2 = y2 + zero
    # torch: _input = input.clone(); _input[..., x1, y1] = _input[..., x2, y2]
    # RHS is read from the clone (== original input) before any write; (x1,y1)
    # and (x2,y2) are disjoint, so this is gather-then-scatter-overwrite.
    vals = input[..., x2, y2]
    swapped = input.at[..., x1, y1].set(vals)
    return _maxpool2x2(swapped)

if __name__ == "__main__":
    import jax
    _d = setup_inputs()
    print(jax.jit(kernel)(*tuple(_d.values())))

</pallas_src>

<mosaic_0001>
#map = affine_map<(d0, d1) -> (0)>
#map1 = affine_map<(d0, d1) -> (0, 0, 0)>
module attributes {stable_mosaic.version = 14 : i64} {
  func.func @_sc_body(%arg0: i32, %arg1: i32, %arg2: memref<50331648xf32, #tpu.memory_space<hbm>>, %arg3: memref<768x256x64xf32, #tpu.memory_space<hbm>>, %arg4: memref<32768xf32, #tpu.memory_space<vmem>>, %arg5: memref<32768xf32, #tpu.memory_space<vmem>>, %arg6: memref<128x64xf32, #tpu.memory_space<vmem>>, %arg7: memref<128x64xf32, #tpu.memory_space<vmem>>, %arg8: memref<!tpu.dma_semaphore, #tpu.memory_space<semaphore_mem>>, %arg9: memref<!tpu.dma_semaphore, #tpu.memory_space<semaphore_mem>>, %arg10: memref<!tpu.dma_semaphore, #tpu.memory_space<semaphore_mem>>, %arg11: memref<!tpu.dma_semaphore, #tpu.memory_space<semaphore_mem>>) attributes {dimension_semantics = [#tpu.dimension_semantics<core_parallel>, #tpu.dimension_semantics<subcore_parallel>], iteration_bounds = array<i64: 2, 16>, scalar_prefetch = 0 : i64, scratch_operands = 8 : i64, tpu.core_type = #tpu.core_type<sc_vector_subcore>, window_params = [{transform_indices = #map}, {transform_indices = #map1}]} {
    %mul3A = arith.constant 2 : i32
    %mul3A_0 = arith.muli %arg1, %mul3A : i32
    %add3A = arith.addi %mul3A_0, %arg0 : i32
    %mul3A_1 = arith.constant 1572864 : i32
    %mul3A_2 = arith.muli %add3A, %mul3A_1 : i32
    %mul3A_3 = arith.constant 24 : i32
    %mul3A_4 = arith.muli %add3A, %mul3A_3 : i32
    %add3A_5 = arith.constant 0 : i32
    %add3A_6 = arith.addi %mul3A_2, %add3A_5 : i32
    %dma_start3A = tpu.memref_slice %arg2[%add3A_6] : memref<50331648xf32, #tpu.memory_space<hbm>> -> memref<32768xf32, #tpu.memory_space<hbm>>
    %dma_start3A_7 = tpu.memref_slice %arg2[%add3A_6] : memref<50331648xf32, #tpu.memory_space<hbm>> -> memref<32768xf32, #tpu.memory_space<hbm>>
    tpu.enqueue_dma source(%dma_start3A_7 : memref<32768xf32, #tpu.memory_space<hbm>>) target(%arg4 : memref<32768xf32, #tpu.memory_space<vmem>>) target_semaphore(%arg8 : memref<!tpu.dma_semaphore, #tpu.memory_space<semaphore_mem>>)
    %add3A_8 = arith.constant 32768 : i32
    %add3A_9 = arith.addi %mul3A_2, %add3A_8 : i32
    %dma_start3A_10 = tpu.memref_slice %arg2[%add3A_9] : memref<50331648xf32, #tpu.memory_space<hbm>> -> memref<32768xf32, #tpu.memory_space<hbm>>
    %dma_start3A_11 = tpu.memref_slice %arg2[%add3A_9] : memref<50331648xf32, #tpu.memory_space<hbm>> -> memref<32768xf32, #tpu.memory_space<hbm>>
    tpu.enqueue_dma source(%dma_start3A_11 : memref<32768xf32, #tpu.memory_space<hbm>>) target(%arg5 : memref<32768xf32, #tpu.memory_space<vmem>>) target_semaphore(%arg9 : memref<!tpu.dma_semaphore, #tpu.memory_space<semaphore_mem>>)
    %scan3A = arith.constant 0 : i32
    %scan3A_12 = arith.constant 0 : i32
    %scan3A_13 = arith.constant 24 : i32
    %scan3A_14 = arith.addi %scan3A_12, %scan3A_13 : i32
    %scan3A_15 = arith.constant 1 : i32
    scf.for %scan3A_36 = %scan3A_12 to %scan3A_14 step %scan3A_15  : i32 {
      %mul3A_37 = arith.constant 2 : i32
      %mul3A_38 = arith.muli %mul3A_37, %scan3A_36 : i32
      %add3A_39 = arith.constant 0 : i32
      %add3A_40 = arith.addi %mul3A_38, %add3A_39 : i32
      %mul3A_41 = arith.constant 32768 : i32
      %mul3A_42 = arith.muli %add3A_40, %mul3A_41 : i32
      %add3A_43 = arith.addi %mul3A_2, %mul3A_42 : i32
      %dma_wait3A_44 = tpu.memref_slice %arg2[%add3A_43] : memref<50331648xf32, #tpu.memory_space<hbm>> -> memref<32768xf32, #tpu.memory_space<hbm>>
      %dma_wait3A_45 = tpu.memref_slice %arg2[%add3A_43] : memref<50331648xf32, #tpu.memory_space<hbm>> -> memref<32768xf32, #tpu.memory_space<hbm>>
      tpu.wait_dma2 semaphore(%arg8 : memref<!tpu.dma_semaphore, #tpu.memory_space<semaphore_mem>>) src(%dma_wait3A_45 : memref<32768xf32, #tpu.memory_space<hbm>>) dst(%arg4 : memref<32768xf32, #tpu.memory_space<vmem>>)
      %gt3A = arith.constant 0 : i32
      %gt3A_46 = arith.cmpi sgt, %scan3A_36, %gt3A : i32
      %convert_element_type3A = arith.extui %gt3A_46 : i1 to i32
      %cond3A = arith.constant 0 : i32
      %cond3A_47 = arith.cmpi ne, %convert_element_type3A, %cond3A : i32
      scf.if %cond3A_47 {
        %sub3A = arith.constant 1 : i32
        %sub3A_293 = arith.subi %scan3A_36, %sub3A : i32
        %add3A_294 = arith.addi %mul3A_4, %sub3A_293 : i32
        %dma_wait3A_295 = arith.constant 0 : i32
        %dma_wait3A_296 = arith.constant 0 : i32
        %dma_wait3A_297 = tpu.memref_slice %arg3[%add3A_294, %dma_wait3A_295, %dma_wait3A_296] : memref<768x256x64xf32, #tpu.memory_space<hbm>> -> memref<1x128x64xf32, #tpu.memory_space<hbm>>
        %dma_wait3A_298 = tpu.memref_squeeze %dma_wait3A_297 : memref<1x128x64xf32, #tpu.memory_space<hbm>> -> memref<128x64xf32, #tpu.memory_space<hbm>>
        %dma_wait3A_299 = arith.constant 0 : i32
        %dma_wait3A_300 = arith.constant 0 : i32
        %dma_wait3A_301 = tpu.memref_slice %arg3[%add3A_294, %dma_wait3A_299, %dma_wait3A_300] : memref<768x256x64xf32, #tpu.memory_space<hbm>> -> memref<1x128x64xf32, #tpu.memory_space<hbm>>
        %dma_wait3A_302 = tpu.memref_squeeze %dma_wait3A_301 : memref<1x128x64xf32, #tpu.memory_space<hbm>> -> memref<128x64xf32, #tpu.memory_space<hbm>>
        tpu.wait_dma2 semaphore(%arg10 : memref<!tpu.dma_semaphore, #tpu.memory_space<semaphore_mem>>) src(%arg6 : memref<128x64xf32, #tpu.memory_space<vmem>>) dst(%dma_wait3A_302 : memref<128x64xf32, #tpu.memory_space<hbm>>)
      } else {
      }
      %iota3A = tpu.iota {dimensions = array<i32: 0>} : vector<16xi32>
      %mul3A_48 = arith.constant 2 : i32
      %mul3A_49 = vector.broadcast %mul3A_48 : i32 to vector<16xi32>
      %mul3A_50 = arith.muli %iota3A, %mul3A_49 : vector<16xi32>
      %add3A_51 = arith.constant 0 : i32
      %add3A_52 = vector.broadcast %add3A_51 : i32 to vector<16xi32>
      %add3A_53 = arith.addi %mul3A_50, %add3A_52 : vector<16xi32>
      %add3A_54 = arith.constant 1 : i32
      %add3A_55 = vector.broadcast %add3A_54 : i32 to vector<16xi32>
      %add3A_56 = arith.addi %add3A_53, %add3A_55 : vector<16xi32>
      %add3A_57 = arith.constant 128 : i32
      %add3A_58 = vector.broadcast %add3A_57 : i32 to vector<16xi32>
      %add3A_59 = arith.addi %add3A_56, %add3A_58 : vector<16xi32>
      %add3A_60 = arith.constant 256 : i32
      %add3A_61 = vector.broadcast %add3A_60 : i32 to vector<16xi32>
      %add3A_62 = arith.addi %add3A_56, %add3A_61 : vector<16xi32>
      %add3A_63 = arith.constant 128 : i32
      %add3A_64 = vector.broadcast %add3A_63 : i32 to vector<16xi32>
      %add3A_65 = arith.addi %add3A_53, %add3A_64 : vector<16xi32>
      %add3A_66 = arith.constant 256 : i32
      %add3A_67 = vector.broadcast %add3A_66 : i32 to vector<16xi32>
      %add3A_68 = arith.addi %add3A_53, %add3A_67 : vector<16xi32>
      %add3A_69 = arith.constant 384 : i32
      %add3A_70 = vector.broadcast %add3A_69 : i32 to vector<16xi32>
      %add3A_71 = arith.addi %add3A_53, %add3A_70 : vector<16xi32>
      %add3A_72 = arith.constant 384 : i32
      %add3A_73 = vector.broadcast %add3A_72 : i32 to vector<16xi32>
      %add3A_74 = arith.addi %add3A_56, %add3A_73 : vector<16xi32>
      %add3A_75 = arith.constant 32 : i32
      %add3A_76 = vector.broadcast %add3A_75 : i32 to vector<16xi32>
      %add3A_77 = arith.addi %mul3A_50, %add3A_76 : vector<16xi32>
      %add3A_78 = arith.constant 1 : i32
      %add3A_79 = vector.broadcast %add3A_78 : i32 to vector<16xi32>
      %add3A_80 = arith.addi %add3A_77, %add3A_79 : vector<16xi32>
      %add3A_81 = arith.constant 128 : i32
      %add3A_82 = vector.broadcast %add3A_81 : i32 to vector<16xi32>
      %add3A_83 = arith.addi %add3A_80, %add3A_82 : vector<16xi32>
      %add3A_84 = arith.constant 256 : i32
      %add3A_85 = vector.broadcast %add3A_84 : i32 to vector<16xi32>
      %add3A_86 = arith.addi %add3A_80, %add3A_85 : vector<16xi32>
      %add3A_87 = arith.constant 128 : i32
      %add3A_88 = vector.broadcast %add3A_87 : i32 to vector<16xi32>
      %add3A_89 = arith.addi %add3A_77, %add3A_88 : vector<16xi32>
      %add3A_90 = arith.constant 256 : i32
      %add3A_91 = vector.broadcast %add3A_90 : i32 to vector<16xi32>
      %add3A_92 = arith.addi %add3A_77, %add3A_91 : vector<16xi32>
      %add3A_93 = arith.constant 384 : i32
      %add3A_94 = vector.broadcast %add3A_93 : i32 to vector<16xi32>
      %add3A_95 = arith.addi %add3A_77, %add3A_94 : vector<16xi32>
      %add3A_96 = arith.constant 384 : i32
      %add3A_97 = vector.broadcast %add3A_96 : i32 to vector<16xi32>
      %add3A_98 = arith.addi %add3A_80, %add3A_97 : vector<16xi32>
      %add3A_99 = arith.constant 64 : i32
      %add3A_100 = vector.broadcast %add3A_99 : i32 to vector<16xi32>
      %add3A_101 = arith.addi %mul3A_50, %add3A_100 : vector<16xi32>
      %add3A_102 = arith.constant 1 : i32
      %add3A_103 = vector.broadcast %add3A_102 : i32 to vector<16xi32>
      %add3A_104 = arith.addi %add3A_101, %add3A_103 : vector<16xi32>
      %add3A_105 = arith.constant 128 : i32
      %add3A_106 = vector.broadcast %add3A_105 : i32 to vector<16xi32>
      %add3A_107 = arith.addi %add3A_104, %add3A_106 : vector<16xi32>
      %add3A_108 = arith.constant 256 : i32
      %add3A_109 = vector.broadcast %add3A_108 : i32 to vector<16xi32>
      %add3A_110 = arith.addi %add3A_104, %add3A_109 : vector<16xi32>
      %add3A_111 = arith.constant 128 : i32
      %add3A_112 = vector.broadcast %add3A_111 : i32 to vector<16xi32>
      %add3A_113 = arith.addi %add3A_101, %add3A_112 : vector<16xi32>
      %add3A_114 = arith.constant 256 : i32
      %add3A_115 = vector.broadcast %add3A_114 : i32 to vector<16xi32>
      %add3A_116 = arith.addi %add3A_101, %add3A_115 : vector<16xi32>
      %add3A_117 = arith.constant 384 : i32
      %add3A_118 = vector.broadcast %add3A_117 : i32 to vector<16xi32>
      %add3A_119 = arith.addi %add3A_101, %add3A_118 : vector<16xi32>
      %add3A_120 = arith.constant 384 : i32
      %add3A_121 = vector.broadcast %add3A_120 : i32 to vector<16xi32>
      %add3A_122 = arith.addi %add3A_104, %add3A_121 : vector<16xi32>
      %add3A_123 = arith.constant 96 : i32
      %add3A_124 = vector.broadcast %add3A_123 : i32 to vector<16xi32>
      %add3A_125 = arith.addi %mul3A_50, %add3A_124 : vector<16xi32>
      %add3A_126 = arith.constant 1 : i32
      %add3A_127 = vector.broadcast %add3A_126 : i32 to vector<16xi32>
      %add3A_128 = arith.addi %add3A_125, %add3A_127 : vector<16xi32>
      %add3A_129 = arith.constant 128 : i32
      %add3A_130 = vector.broadcast %add3A_129 : i32 to vector<16xi32>
      %add3A_131 = arith.addi %add3A_128, %add3A_130 : vector<16xi32>
      %add3A_132 = arith.constant 256 : i32
      %add3A_133 = vector.broadcast %add3A_132 : i32 to vector<16xi32>
      %add3A_134 = arith.addi %add3A_128, %add3A_133 : vector<16xi32>
      %add3A_135 = arith.constant 128 : i32
      %add3A_136 = vector.broadcast %add3A_135 : i32 to vector<16xi32>
      %add3A_137 = arith.addi %add3A_125, %add3A_136 : vector<16xi32>
      %add3A_138 = arith.constant 256 : i32
      %add3A_139 = vector.broadcast %add3A_138 : i32 to vector<16xi32>
      %add3A_140 = arith.addi %add3A_125, %add3A_139 : vector<16xi32>
      %add3A_141 = arith.constant 384 : i32
      %add3A_142 = vector.broadcast %add3A_141 : i32 to vector<16xi32>
      %add3A_143 = arith.addi %add3A_125, %add3A_142 : vector<16xi32>
      %add3A_144 = arith.constant 384 : i32
      %add3A_145 = vector.broadcast %add3A_144 : i32 to vector<16xi32>
      %add3A_146 = arith.addi %add3A_128, %add3A_145 : vector<16xi32>
      %parallel_loop3A = arith.constant 0 : i32
      %parallel_loop3A_147 = arith.constant 64 : i32
      %parallel_loop3A_148 = arith.constant 1 : i32
      scf.for %parallel_loop3A_293 = %parallel_loop3A to %parallel_loop3A_147 step %parallel_loop3A_148  : i32 {
        %parallel_loop3A_294 = arith.constant 512 : i32
        %parallel_loop3A_295 = arith.muli %parallel_loop3A_293, %parallel_loop3A_294 : i32
        %parallel_loop3A_296 = tpu.memref_slice %arg4[%parallel_loop3A_295] : memref<32768xf32, #tpu.memory_space<vmem>> -> memref<512xf32, #tpu.memory_space<vmem>>
        %parallel_loop3A_297 = tpu.vector_load_idx %parallel_loop3A_296[%add3A_53] : memref<512xf32, #tpu.memory_space<vmem>>[vector<16xi32>], vector<16xf32>,
        %parallel_loop3A_298 = tpu.memref_slice %arg4[%parallel_loop3A_295] : memref<32768xf32, #tpu.memory_space<vmem>> -> memref<512xf32, #tpu.memory_space<vmem>>
        %parallel_loop3A_299 = tpu.vector_load_idx %parallel_loop3A_298[%add3A_56] : memref<512xf32, #tpu.memory_space<vmem>>[vector<16xi32>], vector<16xf32>,
        %parallel_loop3A_300 = tpu.memref_slice %arg4[%parallel_loop3A_295] : memref<32768xf32, #tpu.memory_space<vmem>> -> memref<512xf32, #tpu.memory_space<vmem>>
        %parallel_loop3A_301 = tpu.vector_load_idx %parallel_loop3A_300[%add3A_59] : memref<512xf32, #tpu.memory_space<vmem>>[vector<16xi32>], vector<16xf32>,
        %parallel_loop3A_302 = tpu.memref_slice %arg4[%parallel_loop3A_295] : memref<32768xf32, #tpu.memory_space<vmem>> -> memref<512xf32, #tpu.memory_space<vmem>>
        %parallel_loop3A_303 = tpu.vector_load_idx %parallel_loop3A_302[%add3A_62] : memref<512xf32, #tpu.memory_space<vmem>>[vector<16xi32>], vector<16xf32>,
        %parallel_loop3A_304 = arith.maximumf %parallel_loop3A_297, %parallel_loop3A_299 : vector<16xf32>
        %parallel_loop3A_305 = arith.maximumf %parallel_loop3A_301, %parallel_loop3A_303 : vector<16xf32>
        %parallel_loop3A_306 = arith.maximumf %parallel_loop3A_304, %parallel_loop3A_305 : vector<16xf32>
        %parallel_loop3A_307 = arith.constant 2 : i32
        %parallel_loop3A_308 = arith.muli %parallel_loop3A_307, %parallel_loop3A_293 : i32
        %parallel_loop3A_309 = arith.index_cast %parallel_loop3A_308 : i32 to index
        %parallel_loop3A_310 = arith.constant 0 : index
        %parallel_loop3A_311 = tpu.vector_load %arg6[%parallel_loop3A_309, %parallel_loop3A_310] {strides = array<i32>} : memref<128x64xf32, #tpu.memory_space<vmem>>, vector<16xf32>,
        tpu.vector_store %arg6[%parallel_loop3A_309, %parallel_loop3A_310], %parallel_loop3A_306 {strides = array<i32>} : memref<128x64xf32, #tpu.memory_space<vmem>>, vector<16xf32>,
        %parallel_loop3A_312 = tpu.memref_slice %arg4[%parallel_loop3A_295] : memref<32768xf32, #tpu.memory_space<vmem>> -> memref<512xf32, #tpu.memory_space<vmem>>
        %parallel_loop3A_313 = tpu.vector_load_idx %parallel_loop3A_312[%add3A_65] : memref<512xf32, #tpu.memory_space<vmem>>[vector<16xi32>], vector<16xf32>,
        %parallel_loop3A_314 = tpu.memref_slice %arg4[%parallel_loop3A_295] : memref<32768xf32, #tpu.memory_space<vmem>> -> memref<512xf32, #tpu.memory_space<vmem>>
        %parallel_loop3A_315 = tpu.vector_load_idx %parallel_loop3A_314[%add3A_68] : memref<512xf32, #tpu.memory_space<vmem>>[vector<16xi32>], vector<16xf32>,
        %parallel_loop3A_316 = tpu.memref_slice %arg4[%parallel_loop3A_295] : memref<32768xf32, #tpu.memory_space<vmem>> -> memref<512xf32, #tpu.memory_space<vmem>>
        %parallel_loop3A_317 = tpu.vector_load_idx %parallel_loop3A_316[%add3A_71] : memref<512xf32, #tpu.memory_space<vmem>>[vector<16xi32>], vector<16xf32>,
        %parallel_loop3A_318 = tpu.memref_slice %arg4[%parallel_loop3A_295] : memref<32768xf32, #tpu.memory_space<vmem>> -> memref<512xf32, #tpu.memory_space<vmem>>
        %parallel_loop3A_319 = tpu.vector_load_idx %parallel_loop3A_318[%add3A_74] : memref<512xf32, #tpu.memory_space<vmem>>[vector<16xi32>], vector<16xf32>,
        %parallel_loop3A_320 = arith.maximumf %parallel_loop3A_313, %parallel_loop3A_315 : vector<16xf32>
        %parallel_loop3A_321 = arith.maximumf %parallel_loop3A_317, %parallel_loop3A_319 : vector<16xf32>
        %parallel_loop3A_322 = arith.maximumf %parallel_loop3A_320, %parallel_loop3A_321 : vector<16xf32>
        %parallel_loop3A_323 = arith.constant 2 : i32
        %parallel_loop3A_324 = arith.muli %parallel_loop3A_323, %parallel_loop3A_293 : i32
        %parallel_loop3A_325 = arith.constant 1 : i32
        %parallel_loop3A_326 = arith.addi %parallel_loop3A_324, %parallel_loop3A_325 : i32
        %parallel_loop3A_327 = arith.index_cast %parallel_loop3A_326 : i32 to index
        %parallel_loop3A_328 = arith.constant 0 : index
        %parallel_loop3A_329 = tpu.vector_load %arg6[%parallel_loop3A_327, %parallel_loop3A_328] {strides = array<i32>} : memref<128x64xf32, #tpu.memory_space<vmem>>, vector<16xf32>,
        tpu.vector_store %arg6[%parallel_loop3A_327, %parallel_loop3A_328], %parallel_loop3A_322 {strides = array<i32>} : memref<128x64xf32, #tpu.memory_space<vmem>>, vector<16xf32>,
        %parallel_loop3A_330 = tpu.memref_slice %arg4[%parallel_loop3A_295] : memref<32768xf32, #tpu.memory_space<vmem>> -> memref<512xf32, #tpu.memory_space<vmem>>
        %parallel_loop3A_331 = tpu.vector_load_idx %parallel_loop3A_330[%add3A_77] : memref<512xf32, #tpu.memory_space<vmem>>[vector<16xi32>], vector<16xf32>,
        %parallel_loop3A_332 = tpu.memref_slice %arg4[%parallel_loop3A_295] : memref<32768xf32, #tpu.memory_space<vmem>> -> memref<512xf32, #tpu.memory_space<vmem>>
        %parallel_loop3A_333 = tpu.vector_load_idx %parallel_loop3A_332[%add3A_80] : memref<512xf32, #tpu.memory_space<vmem>>[vector<16xi32>], vector<16xf32>,
        %parallel_loop3A_334 = tpu.memref_slice %arg4[%parallel_loop3A_295] : memref<32768xf32, #tpu.memory_space<vmem>> -> memref<512xf32, #tpu.memory_space<vmem>>
        %parallel_loop3A_335 = tpu.vector_load_idx %parallel_loop3A_334[%add3A_83] : memref<512xf32, #tpu.memory_space<vmem>>[vector<16xi32>], vector<16xf32>,
        %parallel_loop3A_336 = tpu.memref_slice %arg4[%parallel_loop3A_295] : memref<32768xf32, #tpu.memory_space<vmem>> -> memref<512xf32, #tpu.memory_space<vmem>>
        %parallel_loop3A_337 = tpu.vector_load_idx %parallel_loop3A_336[%add3A_86] : memref<512xf32, #tpu.memory_space<vmem>>[vector<16xi32>], vector<16xf32>,
        %parallel_loop3A_338 = arith.maximumf %parallel_loop3A_331, %parallel_loop3A_333 : vector<16xf32>
        %parallel_loop3A_339 = arith.maximumf %parallel_loop3A_335, %parallel_loop3A_337 : vector<16xf32>
        %parallel_loop3A_340 = arith.maximumf %parallel_loop3A_338, %parallel_loop3A_339 : vector<16xf32>
        %parallel_loop3A_341 = arith.constant 2 : i32
        %parallel_loop3A_342 = arith.muli %parallel_loop3A_341, %parallel_loop3A_293 : i32
        %parallel_loop3A_343 = arith.index_cast %parallel_loop3A_342 : i32 to index
        %parallel_loop3A_344 = arith.constant 16 : index
        %parallel_loop3A_345 = tpu.vector_load %arg6[%parallel_loop3A_343, %parallel_loop3A_344] {strides = array<i32>} : memref<128x64xf32, #tpu.memory_space<vmem>>, vector<16xf32>,
        tpu.vector_store %arg6[%parallel_loop3A_343, %parallel_loop3A_344], %parallel_loop3A_340 {strides = array<i32>} : memref<128x64xf32, #tpu.memory_space<vmem>>, vector<16xf32>,
        %parallel_loop3A_346 = tpu.memref_slice %arg4[%parallel_loop3A_295] : memref<32768xf32, #tpu.memory_space<vmem>> -> memref<512xf32, #tpu.memory_space<vmem>>
        %parallel_loop3A_347 = tpu.vector_load_idx %parallel_loop3A_346[%add3A_89] : memref<512xf32, #tpu.memory_space<vmem>>[vector<16xi32>], vector<16xf32>,
        %parallel_loop3A_348 = tpu.memref_slice %arg4[%parallel_loop3A_295] : memref<32768xf32, #tpu.memory_space<vmem>> -> memref<512xf32, #tpu.memory_space<vmem>>
        %parallel_loop3A_349 = tpu.vector_load_idx %parallel_loop3A_348[%add3A_92] : memref<512xf32, #tpu.memory_space<vmem>>[vector<16xi32>], vector<16xf32>,
        %parallel_loop3A_350 = tpu.memref_slice %arg4[%parallel_loop3A_295] : memref<32768xf32, #tpu.memory_space<vmem>> -> memref<512xf32, #tpu.memory_space<vmem>>
        %parallel_loop3A_351 = tpu.vector_load_idx %parallel_loop3A_350[%add3A_95] : memref<512xf32, #tpu.memory_space<vmem>>[vector<16xi32>], vector<16xf32>,
        %parallel_loop3A_352 = tpu.memref_slice %arg4[%parallel_loop3A_295] : memref<32768xf32, #tpu.memory_space<vmem>> -> memref<512xf32, #tpu.memory_space<vmem>>
        %parallel_loop3A_353 = tpu.vector_load_idx %parallel_loop3A_352[%add3A_98] : memref<512xf32, #tpu.memory_space<vmem>>[vector<16xi32>], vector<16xf32>,
        %parallel_loop3A_354 = arith.maximumf %parallel_loop3A_347, %parallel_loop3A_349 : vector<16xf32>
        %parallel_loop3A_355 = arith.maximumf %parallel_loop3A_351, %parallel_loop3A_353 : vector<16xf32>
        %parallel_loop3A_356 = arith.maximumf %parallel_loop3A_354, %parallel_loop3A_355 : vector<16xf32>
        %parallel_loop3A_357 = arith.constant 2 : i32
        %parallel_loop3A_358 = arith.muli %parallel_loop3A_357, %parallel_loop3A_293 : i32
        %parallel_loop3A_359 = arith.constant 1 : i32
        %parallel_loop3A_360 = arith.addi %parallel_loop3A_358, %parallel_loop3A_359 : i32
        %parallel_loop3A_361 = arith.index_cast %parallel_loop3A_360 : i32 to index
        %parallel_loop3A_362 = arith.constant 16 : index
        %parallel_loop3A_363 = tpu.vector_load %arg6[%parallel_loop3A_361, %parallel_loop3A_362] {strides = array<i32>} : memref<128x64xf32, #tpu.memory_space<vmem>>, vector<16xf32>,
        tpu.vector_store %arg6[%parallel_loop3A_361, %parallel_loop3A_362], %parallel_loop3A_356 {strides = array<i32>} : memref<128x64xf32, #tpu.memory_space<vmem>>, vector<16xf32>,
        %parallel_loop3A_364 = tpu.memref_slice %arg4[%parallel_loop3A_295] : memref<32768xf32, #tpu.memory_space<vmem>> -> memref<512xf32, #tpu.memory_space<vmem>>
        %parallel_loop3A_365 = tpu.vector_load_idx %parallel_loop3A_364[%add3A_101] : memref<512xf32, #tpu.memory_space<vmem>>[vector<16xi32>], vector<16xf32>,
        %parallel_loop3A_366 = tpu.memref_slice %arg4[%parallel_loop3A_295] : memref<32768xf32, #tpu.memory_space<vmem>> -> memref<512xf32, #tpu.memory_space<vmem>>
        %parallel_loop3A_367 = tpu.vector_load_idx %parallel_loop3A_366[%add3A_104] : memref<512xf32, #tpu.memory_space<vmem>>[vector<16xi32>], vector<16xf32>,
        %parallel_loop3A_368 = tpu.memref_slice %arg4[%parallel_loop3A_295] : memref<32768xf32, #tpu.memory_space<vmem>> -> memref<512xf32, #tpu.memory_space<vmem>>
        %parallel_loop3A_369 = tpu.vector_load_idx %parallel_loop3A_368[%add3A_107] : memref<512xf32, #tpu.memory_space<vmem>>[vector<16xi32>], vector<16xf32>,
        %parallel_loop3A_370 = tpu.memref_slice %arg4[%parallel_loop3A_295] : memref<32768xf32, #tpu.memory_space<vmem>> -> memref<512xf32, #tpu.memory_space<vmem>>
        %parallel_loop3A_371 = tpu.vector_load_idx %parallel_loop3A_370[%add3A_110] : memref<512xf32, #tpu.memory_space<vmem>>[vector<16xi32>], vector<16xf32>,
        %parallel_loop3A_372 = arith.maximumf %parallel_loop3A_365, %parallel_loop3A_367 : vector<16xf32>
        %parallel_loop3A_373 = arith.maximumf %parallel_loop3A_369, %parallel_loop3A_371 : vector<16xf32>
        %parallel_loop3A_374 = arith.maximumf %parallel_loop3A_372, %parallel_loop3A_373 : vector<16xf32>
        %parallel_loop3A_375 = arith.constant 2 : i32
        %parallel_loop3A_376 = arith.muli %parallel_loop3A_375, %parallel_loop3A_293 : i32
        %parallel_loop3A_377 = arith.index_cast %parallel_loop3A_376 : i32 to index
        %parallel_loop3A_378 = arith.constant 32 : index
        %parallel_loop3A_379 = tpu.vector_load %arg6[%parallel_loop3A_377, %parallel_loop3A_378] {strides = array<i32>} : memref<128x64xf32, #tpu.memory_space<vmem>>, vector<16xf32>,
        tpu.vector_store %arg6[%parallel_loop3A_377, %parallel_loop3A_378], %parallel_loop3A_374 {strides = array<i32>} : memref<128x64xf32, #tpu.memory_space<vmem>>, vector<16xf32>,
        %parallel_loop3A_380 = tpu.memref_slice %arg4[%parallel_loop3A_295] : memref<32768xf32, #tpu.memory_space<vmem>> -> memref<512xf32, #tpu.memory_space<vmem>>
        %parallel_loop3A_381 = tpu.vector_load_idx %parallel_loop3A_380[%add3A_113] : memref<512xf32, #tpu.memory_space<vmem>>[vector<16xi32>], vector<16xf32>,
        %parallel_loop3A_382 = tpu.memref_slice %arg4[%parallel_loop3A_295] : memref<32768xf32, #tpu.memory_space<vmem>> -> memref<512xf32, #tpu.memory_space<vmem>>
        %parallel_loop3A_383 = tpu.vector_load_idx %parallel_loop3A_382[%add3A_116] : memref<512xf32, #tpu.memory_space<vmem>>[vector<16xi32>], vector<16xf32>,
        %parallel_loop3A_384 = tpu.memref_slice %arg4[%parallel_loop3A_295] : memref<32768xf32, #tpu.memory_space<vmem>> -> memref<512xf32, #tpu.memory_space<vmem>>
        %parallel_loop3A_385 = tpu.vector_load_idx %parallel_loop3A_384[%add3A_119] : memref<512xf32, #tpu.memory_space<vmem>>[vector<16xi32>], vector<16xf32>,
        %parallel_loop3A_386 = tpu.memref_slice %arg4[%parallel_loop3A_295] : memref<32768xf32, #tpu.memory_space<vmem>> -> memref<512xf32, #tpu.memory_space<vmem>>
        %parallel_loop3A_387 = tpu.vector_load_idx %parallel_loop3A_386[%add3A_122] : memref<512xf32, #tpu.memory_space<vmem>>[vector<16xi32>], vector<16xf32>,
        %parallel_loop3A_388 = arith.maximumf %parallel_loop3A_381, %parallel_loop3A_383 : vector<16xf32>
        %parallel_loop3A_389 = arith.maximumf %parallel_loop3A_385, %parallel_loop3A_387 : vector<16xf32>
        %parallel_loop3A_390 = arith.maximumf %parallel_loop3A_388, %parallel_loop3A_389 : vector<16xf32>
        %parallel_loop3A_391 = arith.constant 2 : i32
        %parallel_loop3A_392 = arith.muli %parallel_loop3A_391, %parallel_loop3A_293 : i32
        %parallel_loop3A_393 = arith.constant 1 : i32
        %parallel_loop3A_394 = arith.addi %parallel_loop3A_392, %parallel_loop3A_393 : i32
        %parallel_loop3A_395 = arith.index_cast %parallel_loop3A_394 : i32 to index
        %parallel_loop3A_396 = arith.constant 32 : index
        %parallel_loop3A_397 = tpu.vector_load %arg6[%parallel_loop3A_395, %parallel_loop3A_396] {strides = array<i32>} : memref<128x64xf32, #tpu.memory_space<vmem>>, vector<16xf32>,
        tpu.vector_store %arg6[%parallel_loop3A_395, %parallel_loop3A_396], %parallel_loop3A_390 {strides = array<i32>} : memref<128x64xf32, #tpu.memory_space<vmem>>, vector<16xf32>,
        %parallel_loop3A_398 = tpu.memref_slice %arg4[%parallel_loop3A_295] : memref<32768xf32, #tpu.memory_space<vmem>> -> memref<512xf32, #tpu.memory_space<vmem>>
        %parallel_loop3A_399 = tpu.vector_load_idx %parallel_loop3A_398[%add3A_125] : memref<512xf32, #tpu.memory_space<vmem>>[vector<16xi32>], vector<16xf32>,
        %parallel_loop3A_400 = tpu.memref_slice %arg4[%parallel_loop3A_295] : memref<32768xf32, #tpu.memory_space<vmem>> -> memref<512xf32, #tpu.memory_space<vmem>>
        %parallel_loop3A_401 = tpu.vector_load_idx %parallel_loop3A_400[%add3A_128] : memref<512xf32, #tpu.memory_space<vmem>>[vector<16xi32>], vector<16xf32>,
        %parallel_loop3A_402 = tpu.memref_slice %arg4[%parallel_loop3A_295] : memref<32768xf32, #tpu.memory_space<vmem>> -> memref<512xf32, #tpu.memory_space<vmem>>
        %parallel_loop3A_403 = tpu.vector_load_idx %parallel_loop3A_402[%add3A_131] : memref<512xf32, #tpu.memory_space<vmem>>[vector<16xi32>], vector<16xf32>,
        %parallel_loop3A_404 = tpu.memref_slice %arg4[%parallel_loop3A_295] : memref<32768xf32, #tpu.memory_space<vmem>> -> memref<512xf32, #tpu.memory_space<vmem>>
        %parallel_loop3A_405 = tpu.vector_load_idx %parallel_loop3A_404[%add3A_134] : memref<512xf32, #tpu.memory_space<vmem>>[vector<16xi32>], vector<16xf32>,
        %parallel_loop3A_406 = arith.maximumf %parallel_loop3A_399, %parallel_loop3A_401 : vector<16xf32>
        %parallel_loop3A_407 = arith.maximumf %parallel_loop3A_403, %parallel_loop3A_405 : vector<16xf32>
        %parallel_loop3A_408 = arith.maximumf %parallel_loop3A_406, %parallel_loop3A_407 : vector<16xf32>
        %parallel_loop3A_409 = arith.constant 2 : i32
        %parallel_loop3A_410 = arith.muli %parallel_loop3A_409, %parallel_loop3A_293 : i32
        %parallel_loop3A_411 = arith.index_cast %parallel_loop3A_410 : i32 to index
        %parallel_loop3A_412 = arith.constant 48 : index
        %parallel_loop3A_413 = tpu.vector_load %arg6[%parallel_loop3A_411, %parallel_loop3A_412] {strides = array<i32>} : memref<128x64xf32, #tpu.memory_space<vmem>>, vector<16xf32>,
        tpu.vector_store %arg6[%parallel_loop3A_411, %parallel_loop3A_412], %parallel_loop3A_408 {strides = array<i32>} : memref<128x64xf32, #tpu.memory_space<vmem>>, vector<16xf32>,
        %parallel_loop3A_414 = tpu.memref_slice %arg4[%parallel_loop3A_295] : memref<32768xf32, #tpu.memory_space<vmem>> -> memref<512xf32, #tpu.memory_space<vmem>>
        %parallel_loop3A_415 = tpu.vector_load_idx %parallel_loop3A_414[%add3A_137] : memref<512xf32, #tpu.memory_space<vmem>>[vector<16xi32>], vector<16xf32>,
        %parallel_loop3A_416 = tpu.memref_slice %arg4[%parallel_loop3A_295] : memref<32768xf32, #tpu.memory_space<vmem>> -> memref<512xf32, #tpu.memory_space<vmem>>
        %parallel_loop3A_417 = tpu.vector_load_idx %parallel_loop3A_416[%add3A_140] : memref<512xf32, #tpu.memory_space<vmem>>[vector<16xi32>], vector<16xf32>,
        %parallel_loop3A_418 = tpu.memref_slice %arg4[%parallel_loop3A_295] : memref<32768xf32, #tpu.memory_space<vmem>> -> memref<512xf32, #tpu.memory_space<vmem>>
        %parallel_loop3A_419 = tpu.vector_load_idx %parallel_loop3A_418[%add3A_143] : memref<512xf32, #tpu.memory_space<vmem>>[vector<16xi32>], vector<16xf32>,
        %parallel_loop3A_420 = tpu.memref_slice %arg4[%parallel_loop3A_295] : memref<32768xf32, #tpu.memory_space<vmem>> -> memref<512xf32, #tpu.memory_space<vmem>>
        %parallel_loop3A_421 = tpu.vector_load_idx %parallel_loop3A_420[%add3A_146] : memref<512xf32, #tpu.memory_space<vmem>>[vector<16xi32>], vector<16xf32>,
        %parallel_loop3A_422 = arith.maximumf %parallel_loop3A_415, %parallel_loop3A_417 : vector<16xf32>
        %parallel_loop3A_423 = arith.maximumf %parallel_loop3A_419, %parallel_loop3A_421 : vector<16xf32>
        %parallel_loop3A_424 = arith.maximumf %parallel_loop3A_422, %parallel_loop3A_423 : vector<16xf32>
        %parallel_loop3A_425 = arith.constant 2 : i32
        %parallel_loop3A_426 = arith.muli %parallel_loop3A_425, %parallel_loop3A_293 : i32
        %parallel_loop3A_427 = arith.constant 1 : i32
        %parallel_loop3A_428 = arith.addi %parallel_loop3A_426, %parallel_loop3A_427 : i32
        %parallel_loop3A_429 = arith.index_cast %parallel_loop3A_428 : i32 to index
        %parallel_loop3A_430 = arith.constant 48 : index
        %parallel_loop3A_431 = tpu.vector_load %arg6[%parallel_loop3A_429, %parallel_loop3A_430] {strides = array<i32>} : memref<128x64xf32, #tpu.memory_space<vmem>>, vector<16xf32>,
        tpu.vector_store %arg6[%parallel_loop3A_429, %parallel_loop3A_430], %parallel_loop3A_424 {strides = array<i32>} : memref<128x64xf32, #tpu.memory_space<vmem>>, vector<16xf32>,
      } {sc.loop_unroll_factor = 2 : i64, sc.parallel_access}
      %add3A_149 = arith.addi %mul3A_4, %scan3A_36 : i32
      %dma_start3A_150 = arith.constant 0 : i32
      %dma_start3A_151 = arith.constant 0 : i32
      %dma_start3A_152 = tpu.memref_slice %arg3[%add3A_149, %dma_start3A_150, %dma_start3A_151] : memref<768x256x64xf32, #tpu.memory_space<hbm>> -> memref<1x128x64xf32, #tpu.memory_space<hbm>>
      %dma_start3A_153 = tpu.memref_squeeze %dma_start3A_152 : memref<1x128x64xf32, #tpu.memory_space<hbm>> -> memref<128x64xf32, #tpu.memory_space<hbm>>
      %dma_start3A_154 = arith.constant 0 : i32
      %dma_start3A_155 = arith.constant 0 : i32
      %dma_start3A_156 = tpu.memref_slice %arg3[%add3A_149, %dma_start3A_154, %dma_start3A_155] : memref<768x256x64xf32, #tpu.memory_space<hbm>> -> memref<1x128x64xf32, #tpu.memory_space<hbm>>
      %dma_start3A_157 = tpu.memref_squeeze %dma_start3A_156 : memref<1x128x64xf32, #tpu.memory_space<hbm>> -> memref<128x64xf32, #tpu.memory_space<hbm>>
      tpu.enqueue_dma source(%arg6 : memref<128x64xf32, #tpu.memory_space<vmem>>) target(%dma_start3A_157 : memref<128x64xf32, #tpu.memory_space<hbm>>) target_semaphore(%arg10 : memref<!tpu.dma_semaphore, #tpu.memory_space<semaphore_mem>>)
      %lt3A = arith.constant 23 : i32
      %lt3A_158 = arith.cmpi slt, %scan3A_36, %lt3A : i32
      %convert_element_type3A_159 = arith.extui %lt3A_158 : i1 to i32
      %cond3A_160 = arith.constant 0 : i32
      %cond3A_161 = arith.cmpi ne, %convert_element_type3A_159, %cond3A_160 : i32
      scf.if %cond3A_161 {
        %add3A_293 = arith.constant 1 : i32
        %add3A_294 = arith.addi %scan3A_36, %add3A_293 : i32
        %mul3A_295 = arith.constant 2 : i32
        %mul3A_296 = arith.muli %mul3A_295, %add3A_294 : i32
        %add3A_297 = arith.constant 0 : i32
        %add3A_298 = arith.addi %mul3A_296, %add3A_297 : i32
        %mul3A_299 = arith.constant 32768 : i32
        %mul3A_300 = arith.muli %add3A_298, %mul3A_299 : i32
        %add3A_301 = arith.addi %mul3A_2, %mul3A_300 : i32
        %dma_start3A_302 = tpu.memref_slice %arg2[%add3A_301] : memref<50331648xf32, #tpu.memory_space<hbm>> -> memref<32768xf32, #tpu.memory_space<hbm>>
        %dma_start3A_303 = tpu.memref_slice %arg2[%add3A_301] : memref<50331648xf32, #tpu.memory_space<hbm>> -> memref<32768xf32, #tpu.memory_space<hbm>>
        tpu.enqueue_dma source(%dma_start3A_303 : memref<32768xf32, #tpu.memory_space<hbm>>) target(%arg4 : memref<32768xf32, #tpu.memory_space<vmem>>) target_semaphore(%arg8 : memref<!tpu.dma_semaphore, #tpu.memory_space<semaphore_mem>>)
      } else {
      }
      %mul3A_162 = arith.constant 2 : i32
      %mul3A_163 = arith.muli %mul3A_162, %scan3A_36 : i32
      %add3A_164 = arith.constant 1 : i32
      %add3A_165 = arith.addi %mul3A_163, %add3A_164 : i32
      %mul3A_166 = arith.constant 32768 : i32
      %mul3A_167 = arith.muli %add3A_165, %mul3A_166 : i32
      %add3A_168 = arith.addi %mul3A_2, %mul3A_167 : i32
      %dma_wait3A_169 = tpu.memref_slice %arg2[%add3A_168] : memref<50331648xf32, #tpu.memory_space<hbm>> -> memref<32768xf32, #tpu.memory_space<hbm>>
      %dma_wait3A_170 = tpu.memref_slice %arg2[%add3A_168] : memref<50331648xf32, #tpu.memory_space<hbm>> -> memref<32768xf32, #tpu.memory_space<hbm>>
      tpu.wait_dma2 semaphore(%arg9 : memref<!tpu.dma_semaphore, #tpu.memory_space<semaphore_mem>>) src(%dma_wait3A_170 : memref<32768xf32, #tpu.memory_space<hbm>>) dst(%arg5 : memref<32768xf32, #tpu.memory_space<vmem>>)
      %gt3A_171 = arith.constant 0 : i32
      %gt3A_172 = arith.cmpi sgt, %scan3A_36, %gt3A_171 : i32
      %convert_element_type3A_173 = arith.extui %gt3A_172 : i1 to i32
      %cond3A_174 = arith.constant 0 : i32
      %cond3A_175 = arith.cmpi ne, %convert_element_type3A_173, %cond3A_174 : i32
      scf.if %cond3A_175 {
        %sub3A = arith.constant 1 : i32
        %sub3A_293 = arith.subi %scan3A_36, %sub3A : i32
        %add3A_294 = arith.addi %mul3A_4, %sub3A_293 : i32
        %dma_wait3A_295 = arith.constant 128 : i32
        %dma_wait3A_296 = arith.constant 0 : i32
        %dma_wait3A_297 = tpu.memref_slice %arg3[%add3A_294, %dma_wait3A_295, %dma_wait3A_296] : memref<768x256x64xf32, #tpu.memory_space<hbm>> -> memref<1x128x64xf32, #tpu.memory_space<hbm>>
        %dma_wait3A_298 = tpu.memref_squeeze %dma_wait3A_297 : memref<1x128x64xf32, #tpu.memory_space<hbm>> -> memref<128x64xf32, #tpu.memory_space<hbm>>
        %dma_wait3A_299 = arith.constant 128 : i32
        %dma_wait3A_300 = arith.constant 0 : i32
        %dma_wait3A_301 = tpu.memref_slice %arg3[%add3A_294, %dma_wait3A_299, %dma_wait3A_300] : memref<768x256x64xf32, #tpu.memory_space<hbm>> -> memref<1x128x64xf32, #tpu.memory_space<hbm>>
        %dma_wait3A_302 = tpu.memref_squeeze %dma_wait3A_301 : memref<1x128x64xf32, #tpu.memory_space<hbm>> -> memref<128x64xf32, #tpu.memory_space<hbm>>
        tpu.wait_dma2 semaphore(%arg11 : memref<!tpu.dma_semaphore, #tpu.memory_space<semaphore_mem>>) src(%arg7 : memref<128x64xf32, #tpu.memory_space<vmem>>) dst(%dma_wait3A_302 : memref<128x64xf32, #tpu.memory_space<hbm>>)
      } else {
      }
      %iota3A_176 = tpu.iota {dimensions = array<i32: 0>} : vector<16xi32>
      %mul3A_177 = arith.constant 2 : i32
      %mul3A_178 = vector.broadcast %mul3A_177 : i32 to vector<16xi32>
      %mul3A_179 = arith.muli %iota3A_176, %mul3A_178 : vector<16xi32>
      %add3A_180 = arith.constant 0 : i32
      %add3A_181 = vector.broadcast %add3A_180 : i32 to vector<16xi32>
      %add3A_182 = arith.addi %mul3A_179, %add3A_181 : vector<16xi32>
      %add3A_183 = arith.constant 1 : i32
      %add3A_184 = vector.broadcast %add3A_183 : i32 to vector<16xi32>
      %add3A_185 = arith.addi %add3A_182, %add3A_184 : vector<16xi32>
      %add3A_186 = arith.constant 128 : i32
      %add3A_187 = vector.broadcast %add3A_186 : i32 to vector<16xi32>
      %add3A_188 = arith.addi %add3A_185, %add3A_187 : vector<16xi32>
      %add3A_189 = arith.constant 256 : i32
      %add3A_190 = vector.broadcast %add3A_189 : i32 to vector<16xi32>
      %add3A_191 = arith.addi %add3A_185, %add3A_190 : vector<16xi32>
      %add3A_192 = arith.constant 128 : i32
      %add3A_193 = vector.broadcast %add3A_192 : i32 to vector<16xi32>
      %add3A_194 = arith.addi %add3A_182, %add3A_193 : vector<16xi32>
      %add3A_195 = arith.constant 256 : i32
      %add3A_196 = vector.broadcast %add3A_195 : i32 to vector<16xi32>
      %add3A_197 = arith.addi %add3A_182, %add3A_196 : vector<16xi32>
      %add3A_198 = arith.constant 384 : i32
      %add3A_199 = vector.broadcast %add3A_198 : i32 to vector<16xi32>
      %add3A_200 = arith.addi %add3A_182, %add3A_199 : vector<16xi32>
      %add3A_201 = arith.constant 384 : i32
      %add3A_202 = vector.broadcast %add3A_201 : i32 to vector<16xi32>
      %add3A_203 = arith.addi %add3A_185, %add3A_202 : vector<16xi32>
      %add3A_204 = arith.constant 32 : i32
      %add3A_205 = vector.broadcast %add3A_204 : i32 to vector<16xi32>
      %add3A_206 = arith.addi %mul3A_179, %add3A_205 : vector<16xi32>
      %add3A_207 = arith.constant 1 : i32
      %add3A_208 = vector.broadcast %add3A_207 : i32 to vector<16xi32>
      %add3A_209 = arith.addi %add3A_206, %add3A_208 : vector<16xi32>
      %add3A_210 = arith.constant 128 : i32
      %add3A_211 = vector.broadcast %add3A_210 : i32 to vector<16xi32>
      %add3A_212 = arith.addi %add3A_209, %add3A_211 : vector<16xi32>
      %add3A_213 = arith.constant 256 : i32
      %add3A_214 = vector.broadcast %add3A_213 : i32 to vector<16xi32>
      %add3A_215 = arith.addi %add3A_209, %add3A_214 : vector<16xi32>
      %add3A_216 = arith.constant 128 : i32
      %add3A_217 = vector.broadcast %add3A_216 : i32 to vector<16xi32>
      %add3A_218 = arith.addi %add3A_206, %add3A_217 : vector<16xi32>
      %add3A_219 = arith.constant 256 : i32
      %add3A_220 = vector.broadcast %add3A_219 : i32 to vector<16xi32>
      %add3A_221 = arith.addi %add3A_206, %add3A_220 : vector<16xi32>
      %add3A_222 = arith.constant 384 : i32
      %add3A_223 = vector.broadcast %add3A_222 : i32 to vector<16xi32>
      %add3A_224 = arith.addi %add3A_206, %add3A_223 : vector<16xi32>
      %add3A_225 = arith.constant 384 : i32
      %add3A_226 = vector.broadcast %add3A_225 : i32 to vector<16xi32>
      %add3A_227 = arith.addi %add3A_209, %add3A_226 : vector<16xi32>
      %add3A_228 = arith.constant 64 : i32
      %add3A_229 = vector.broadcast %add3A_228 : i32 to vector<16xi32>
      %add3A_230 = arith.addi %mul3A_179, %add3A_229 : vector<16xi32>
      %add3A_231 = arith.constant 1 : i32
      %add3A_232 = vector.broadcast %add3A_231 : i32 to vector<16xi32>
      %add3A_233 = arith.addi %add3A_230, %add3A_232 : vector<16xi32>
      %add3A_234 = arith.constant 128 : i32
      %add3A_235 = vector.broadcast %add3A_234 : i32 to vector<16xi32>
      %add3A_236 = arith.addi %add3A_233, %add3A_235 : vector<16xi32>
      %add3A_237 = arith.constant 256 : i32
      %add3A_238 = vector.broadcast %add3A_237 : i32 to vector<16xi32>
      %add3A_239 = arith.addi %add3A_233, %add3A_238 : vector<16xi32>
      %add3A_240 = arith.constant 128 : i32
      %add3A_241 = vector.broadcast %add3A_240 : i32 to vector<16xi32>
      %add3A_242 = arith.addi %add3A_230, %add3A_241 : vector<16xi32>
      %add3A_243 = arith.constant 256 : i32
      %add3A_244 = vector.broadcast %add3A_243 : i32 to vector<16xi32>
      %add3A_245 = arith.addi %add3A_230, %add3A_244 : vector<16xi32>
      %add3A_246 = arith.constant 384 : i32
      %add3A_247 = vector.broadcast %add3A_246 : i32 to vector<16xi32>
      %add3A_248 = arith.addi %add3A_230, %add3A_247 : vector<16xi32>
      %add3A_249 = arith.constant 384 : i32
      %add3A_250 = vector.broadcast %add3A_249 : i32 to vector<16xi32>
      %add3A_251 = arith.addi %add3A_233, %add3A_250 : vector<16xi32>
      %add3A_252 = arith.constant 96 : i32
      %add3A_253 = vector.broadcast %add3A_252 : i32 to vector<16xi32>
      %add3A_254 = arith.addi %mul3A_179, %add3A_253 : vector<16xi32>
      %add3A_255 = arith.constant 1 : i32
      %add3A_256 = vector.broadcast %add3A_255 : i32 to vector<16xi32>
      %add3A_257 = arith.addi %add3A_254, %add3A_256 : vector<16xi32>
      %add3A_258 = arith.constant 128 : i32
      %add3A_259 = vector.broadcast %add3A_258 : i32 to vector<16xi32>
      %add3A_260 = arith.addi %add3A_257, %add3A_259 : vector<16xi32>
      %add3A_261 = arith.constant 256 : i32
      %add3A_262 = vector.broadcast %add3A_261 : i32 to vector<16xi32>
      %add3A_263 = arith.addi %add3A_257, %add3A_262 : vector<16xi32>
      %add3A_264 = arith.constant 128 : i32
      %add3A_265 = vector.broadcast %add3A_264 : i32 to vector<16xi32>
      %add3A_266 = arith.addi %add3A_254, %add3A_265 : vector<16xi32>
      %add3A_267 = arith.constant 256 : i32
      %add3A_268 = vector.broadcast %add3A_267 : i32 to vector<16xi32>
      %add3A_269 = arith.addi %add3A_254, %add3A_268 : vector<16xi32>
      %add3A_270 = arith.constant 384 : i32
      %add3A_271 = vector.broadcast %add3A_270 : i32 to vector<16xi32>
      %add3A_272 = arith.addi %add3A_254, %add3A_271 : vector<16xi32>
      %add3A_273 = arith.constant 384 : i32
      %add3A_274 = vector.broadcast %add3A_273 : i32 to vector<16xi32>
      %add3A_275 = arith.addi %add3A_257, %add3A_274 : vector<16xi32>
      %parallel_loop3A_276 = arith.constant 0 : i32
      %parallel_loop3A_277 = arith.constant 64 : i32
      %parallel_loop3A_278 = arith.constant 1 : i32
      scf.for %parallel_loop3A_293 = %parallel_loop3A_276 to %parallel_loop3A_277 step %parallel_loop3A_278  : i32 {
        %parallel_loop3A_294 = arith.constant 512 : i32
        %parallel_loop3A_295 = arith.muli %parallel_loop3A_293, %parallel_loop3A_294 : i32
        %parallel_loop3A_296 = tpu.memref_slice %arg5[%parallel_loop3A_295] : memref<32768xf32, #tpu.memory_space<vmem>> -> memref<512xf32, #tpu.memory_space<vmem>>
        %parallel_loop3A_297 = tpu.vector_load_idx %parallel_loop3A_296[%add3A_182] : memref<512xf32, #tpu.memory_space<vmem>>[vector<16xi32>], vector<16xf32>,
        %parallel_loop3A_298 = tpu.memref_slice %arg5[%parallel_loop3A_295] : memref<32768xf32, #tpu.memory_space<vmem>> -> memref<512xf32, #tpu.memory_space<vmem>>
        %parallel_loop3A_299 = tpu.vector_load_idx %parallel_loop3A_298[%add3A_185] : memref<512xf32, #tpu.memory_space<vmem>>[vector<16xi32>], vector<16xf32>,
        %parallel_loop3A_300 = tpu.memref_slice %arg5[%parallel_loop3A_295] : memref<32768xf32, #tpu.memory_space<vmem>> -> memref<512xf32, #tpu.memory_space<vmem>>
        %parallel_loop3A_301 = tpu.vector_load_idx %parallel_loop3A_300[%add3A_188] : memref<512xf32, #tpu.memory_space<vmem>>[vector<16xi32>], vector<16xf32>,
        %parallel_loop3A_302 = tpu.memref_slice %arg5[%parallel_loop3A_295] : memref<32768xf32, #tpu.memory_space<vmem>> -> memref<512xf32, #tpu.memory_space<vmem>>
        %parallel_loop3A_303 = tpu.vector_load_idx %parallel_loop3A_302[%add3A_191] : memref<512xf32, #tpu.memory_space<vmem>>[vector<16xi32>], vector<16xf32>,
        %parallel_loop3A_304 = arith.maximumf %parallel_loop3A_297, %parallel_loop3A_299 : vector<16xf32>
        %parallel_loop3A_305 = arith.maximumf %parallel_loop3A_301, %parallel_loop3A_303 : vector<16xf32>
        %parallel_loop3A_306 = arith.maximumf %parallel_loop3A_304, %parallel_loop3A_305 : vector<16xf32>
        %parallel_loop3A_307 = arith.constant 2 : i32
        %parallel_loop3A_308 = arith.muli %parallel_loop3A_307, %parallel_loop3A_293 : i32
        %parallel_loop3A_309 = arith.index_cast %parallel_loop3A_308 : i32 to index
        %parallel_loop3A_310 = arith.constant 0 : index
        %parallel_loop3A_311 = tpu.vector_load %arg7[%parallel_loop3A_309, %parallel_loop3A_310] {strides = array<i32>} : memref<128x64xf32, #tpu.memory_space<vmem>>, vector<16xf32>,
        tpu.vector_store %arg7[%parallel_loop3A_309, %parallel_loop3A_310], %parallel_loop3A_306 {strides = array<i32>} : memref<128x64xf32, #tpu.memory_space<vmem>>, vector<16xf32>,
        %parallel_loop3A_312 = tpu.memref_slice %arg5[%parallel_loop3A_295] : memref<32768xf32, #tpu.memory_space<vmem>> -> memref<512xf32, #tpu.memory_space<vmem>>
        %parallel_loop3A_313 = tpu.vector_load_idx %parallel_loop3A_312[%add3A_194] : memref<512xf32, #tpu.memory_space<vmem>>[vector<16xi32>], vector<16xf32>,
        %parallel_loop3A_314 = tpu.memref_slice %arg5[%parallel_loop3A_295] : memref<32768xf32, #tpu.memory_space<vmem>> -> memref<512xf32, #tpu.memory_space<vmem>>
        %parallel_loop3A_315 = tpu.vector_load_idx %parallel_loop3A_314[%add3A_197] : memref<512xf32, #tpu.memory_space<vmem>>[vector<16xi32>], vector<16xf32>,
        %parallel_loop3A_316 = tpu.memref_slice %arg5[%parallel_loop3A_295] : memref<32768xf32, #tpu.memory_space<vmem>> -> memref<512xf32, #tpu.memory_space<vmem>>
        %parallel_loop3A_317 = tpu.vector_load_idx %parallel_loop3A_316[%add3A_200] : memref<512xf32, #tpu.memory_space<vmem>>[vector<16xi32>], vector<16xf32>,
        %parallel_loop3A_318 = tpu.memref_slice %arg5[%parallel_loop3A_295] : memref<32768xf32, #tpu.memory_space<vmem>> -> memref<512xf32, #tpu.memory_space<vmem>>
        %parallel_loop3A_319 = tpu.vector_load_idx %parallel_loop3A_318[%add3A_203] : memref<512xf32, #tpu.memory_space<vmem>>[vector<16xi32>], vector<16xf32>,
        %parallel_loop3A_320 = arith.maximumf %parallel_loop3A_313, %parallel_loop3A_315 : vector<16xf32>
        %parallel_loop3A_321 = arith.maximumf %parallel_loop3A_317, %parallel_loop3A_319 : vector<16xf32>
        %parallel_loop3A_322 = arith.maximumf %parallel_loop3A_320, %parallel_loop3A_321 : vector<16xf32>
        %parallel_loop3A_323 = arith.constant 2 : i32
        %parallel_loop3A_324 = arith.muli %parallel_loop3A_323, %parallel_loop3A_293 : i32
        %parallel_loop3A_325 = arith.constant 1 : i32
        %parallel_loop3A_326 = arith.addi %parallel_loop3A_324, %parallel_loop3A_325 : i32
        %parallel_loop3A_327 = arith.index_cast %parallel_loop3A_326 : i32 to index
        %parallel_loop3A_328 = arith.constant 0 : index
        %parallel_loop3A_329 = tpu.vector_load %arg7[%parallel_loop3A_327, %parallel_loop3A_328] {strides = array<i32>} : memref<128x64xf32, #tpu.memory_space<vmem>>, vector<16xf32>,
        tpu.vector_store %arg7[%parallel_loop3A_327, %parallel_loop3A_328], %parallel_loop3A_322 {strides = array<i32>} : memref<128x64xf32, #tpu.memory_space<vmem>>, vector<16xf32>,
        %parallel_loop3A_330 = tpu.memref_slice %arg5[%parallel_loop3A_295] : memref<32768xf32, #tpu.memory_space<vmem>> -> memref<512xf32, #tpu.memory_space<vmem>>
        %parallel_loop3A_331 = tpu.vector_load_idx %parallel_loop3A_330[%add3A_206] : memref<512xf32, #tpu.memory_space<vmem>>[vector<16xi32>], vector<16xf32>,
        %parallel_loop3A_332 = tpu.memref_slice %arg5[%parallel_loop3A_295] : memref<32768xf32, #tpu.memory_space<vmem>> -> memref<512xf32, #tpu.memory_space<vmem>>
        %parallel_loop3A_333 = tpu.vector_load_idx %parallel_loop3A_332[%add3A_209] : memref<512xf32, #tpu.memory_space<vmem>>[vector<16xi32>], vector<16xf32>,
        %parallel_loop3A_334 = tpu.memref_slice %arg5[%parallel_loop3A_295] : memref<32768xf32, #tpu.memory_space<vmem>> -> memref<512xf32, #tpu.memory_space<vmem>>
        %parallel_loop3A_335 = tpu.vector_load_idx %parallel_loop3A_334[%add3A_212] : memref<512xf32, #tpu.memory_space<vmem>>[vector<16xi32>], vector<16xf32>,
        %parallel_loop3A_336 = tpu.memref_slice %arg5[%parallel_loop3A_295] : memref<32768xf32, #tpu.memory_space<vmem>> -> memref<512xf32, #tpu.memory_space<vmem>>
        %parallel_loop3A_337 = tpu.vector_load_idx %parallel_loop3A_336[%add3A_215] : memref<512xf32, #tpu.memory_space<vmem>>[vector<16xi32>], vector<16xf32>,
        %parallel_loop3A_338 = arith.maximumf %parallel_loop3A_331, %parallel_loop3A_333 : vector<16xf32>
        %parallel_loop3A_339 = arith.maximumf %parallel_loop3A_335, %parallel_loop3A_337 : vector<16xf32>
        %parallel_loop3A_340 = arith.maximumf %parallel_loop3A_338, %parallel_loop3A_339 : vector<16xf32>
        %parallel_loop3A_341 = arith.constant 2 : i32
        %parallel_loop3A_342 = arith.muli %parallel_loop3A_341, %parallel_loop3A_293 : i32
        %parallel_loop3A_343 = arith.index_cast %parallel_loop3A_342 : i32 to index
        %parallel_loop3A_344 = arith.constant 16 : index
        %parallel_loop3A_345 = tpu.vector_load %arg7[%parallel_loop3A_343, %parallel_loop3A_344] {strides = array<i32>} : memref<128x64xf32, #tpu.memory_space<vmem>>, vector<16xf32>,
        tpu.vector_store %arg7[%parallel_loop3A_343, %parallel_loop3A_344], %parallel_loop3A_340 {strides = array<i32>} : memref<128x64xf32, #tpu.memory_space<vmem>>, vector<16xf32>,
        %parallel_loop3A_346 = tpu.memref_slice %arg5[%parallel_loop3A_295] : memref<32768xf32, #tpu.memory_space<vmem>> -> memref<512xf32, #tpu.memory_space<vmem>>
        %parallel_loop3A_347 = tpu.vector_load_idx %parallel_loop3A_346[%add3A_218] : memref<512xf32, #tpu.memory_space<vmem>>[vector<16xi32>], vector<16xf32>,
        %parallel_loop3A_348 = tpu.memref_slice %arg5[%parallel_loop3A_295] : memref<32768xf32, #tpu.memory_space<vmem>> -> memref<512xf32, #tpu.memory_space<vmem>>
        %parallel_loop3A_349 = tpu.vector_load_idx %parallel_loop3A_348[%add3A_221] : memref<512xf32, #tpu.memory_space<vmem>>[vector<16xi32>], vector<16xf32>,
        %parallel_loop3A_350 = tpu.memref_slice %arg5[%parallel_loop3A_295] : memref<32768xf32, #tpu.memory_space<vmem>> -> memref<512xf32, #tpu.memory_space<vmem>>
        %parallel_loop3A_351 = tpu.vector_load_idx %parallel_loop3A_350[%add3A_224] : memref<512xf32, #tpu.memory_space<vmem>>[vector<16xi32>], vector<16xf32>,
        %parallel_loop3A_352 = tpu.memref_slice %arg5[%parallel_loop3A_295] : memref<32768xf32, #tpu.memory_space<vmem>> -> memref<512xf32, #tpu.memory_space<vmem>>
        %parallel_loop3A_353 = tpu.vector_load_idx %parallel_loop3A_352[%add3A_227] : memref<512xf32, #tpu.memory_space<vmem>>[vector<16xi32>], vector<16xf32>,
        %parallel_loop3A_354 = arith.maximumf %parallel_loop3A_347, %parallel_loop3A_349 : vector<16xf32>
        %parallel_loop3A_355 = arith.maximumf %parallel_loop3A_351, %parallel_loop3A_353 : vector<16xf32>
        %parallel_loop3A_356 = arith.maximumf %parallel_loop3A_354, %parallel_loop3A_355 : vector<16xf32>
        %parallel_loop3A_357 = arith.constant 2 : i32
        %parallel_loop3A_358 = arith.muli %parallel_loop3A_357, %parallel_loop3A_293 : i32
        %parallel_loop3A_359 = arith.constant 1 : i32
        %parallel_loop3A_360 = arith.addi %parallel_loop3A_358, %parallel_loop3A_359 : i32
        %parallel_loop3A_361 = arith.index_cast %parallel_loop3A_360 : i32 to index
        %parallel_loop3A_362 = arith.constant 16 : index
        %parallel_loop3A_363 = tpu.vector_load %arg7[%parallel_loop3A_361, %parallel_loop3A_362] {strides = array<i32>} : memref<128x64xf32, #tpu.memory_space<vmem>>, vector<16xf32>,
        tpu.vector_store %arg7[%parallel_loop3A_361, %parallel_loop3A_362], %parallel_loop3A_356 {strides = array<i32>} : memref<128x64xf32, #tpu.memory_space<vmem>>, vector<16xf32>,
        %parallel_loop3A_364 = tpu.memref_slice %arg5[%parallel_loop3A_295] : memref<32768xf32, #tpu.memory_space<vmem>> -> memref<512xf32, #tpu.memory_space<vmem>>
        %parallel_loop3A_365 = tpu.vector_load_idx %parallel_loop3A_364[%add3A_230] : memref<512xf32, #tpu.memory_space<vmem>>[vector<16xi32>], vector<16xf32>,
        %parallel_loop3A_366 = tpu.memref_slice %arg5[%parallel_loop3A_295] : memref<32768xf32, #tpu.memory_space<vmem>> -> memref<512xf32, #tpu.memory_space<vmem>>
        %parallel_loop3A_367 = tpu.vector_load_idx %parallel_loop3A_366[%add3A_233] : memref<512xf32, #tpu.memory_space<vmem>>[vector<16xi32>], vector<16xf32>,
        %parallel_loop3A_368 = tpu.memref_slice %arg5[%parallel_loop3A_295] : memref<32768xf32, #tpu.memory_space<vmem>> -> memref<512xf32, #tpu.memory_space<vmem>>
        %parallel_loop3A_369 = tpu.vector_load_idx %parallel_loop3A_368[%add3A_236] : memref<512xf32, #tpu.memory_space<vmem>>[vector<16xi32>], vector<16xf32>,
        %parallel_loop3A_370 = tpu.memref_slice %arg5[%parallel_loop3A_295] : memref<32768xf32, #tpu.memory_space<vmem>> -> memref<512xf32, #tpu.memory_space<vmem>>
        %parallel_loop3A_371 = tpu.vector_load_idx %parallel_loop3A_370[%add3A_239] : memref<512xf32, #tpu.memory_space<vmem>>[vector<16xi32>], vector<16xf32>,
        %parallel_loop3A_372 = arith.maximumf %parallel_loop3A_365, %parallel_loop3A_367 : vector<16xf32>
        %parallel_loop3A_373 = arith.maximumf %parallel_loop3A_369, %parallel_loop3A_371 : vector<16xf32>
        %parallel_loop3A_374 = arith.maximumf %parallel_loop3A_372, %parallel_loop3A_373 : vector<16xf32>
        %parallel_loop3A_375 = arith.constant 2 : i32
        %parallel_loop3A_376 = arith.muli %parallel_loop3A_375, %parallel_loop3A_293 : i32
        %parallel_loop3A_377 = arith.index_cast %parallel_loop3A_376 : i32 to index
        %parallel_loop3A_378 = arith.constant 32 : index
        %parallel_loop3A_379 = tpu.vector_load %arg7[%parallel_loop3A_377, %parallel_loop3A_378] {strides = array<i32>} : memref<128x64xf32, #tpu.memory_space<vmem>>, vector<16xf32>,
        tpu.vector_store %arg7[%parallel_loop3A_377, %parallel_loop3A_378], %parallel_loop3A_374 {strides = array<i32>} : memref<128x64xf32, #tpu.memory_space<vmem>>, vector<16xf32>,
        %parallel_loop3A_380 = tpu.memref_slice %arg5[%parallel_loop3A_295] : memref<32768xf32, #tpu.memory_space<vmem>> -> memref<512xf32, #tpu.memory_space<vmem>>
        %parallel_loop3A_381 = tpu.vector_load_idx %parallel_loop3A_380[%add3A_242] : memref<512xf32, #tpu.memory_space<vmem>>[vector<16xi32>], vector<16xf32>,
        %parallel_loop3A_382 = tpu.memref_slice %arg5[%parallel_loop3A_295] : memref<32768xf32, #tpu.memory_space<vmem>> -> memref<512xf32, #tpu.memory_space<vmem>>
        %parallel_loop3A_383 = tpu.vector_load_idx %parallel_loop3A_382[%add3A_245] : memref<512xf32, #tpu.memory_space<vmem>>[vector<16xi32>], vector<16xf32>,
        %parallel_loop3A_384 = tpu.memref_slice %arg5[%parallel_loop3A_295] : memref<32768xf32, #tpu.memory_space<vmem>> -> memref<512xf32, #tpu.memory_space<vmem>>
        %parallel_loop3A_385 = tpu.vector_load_idx %parallel_loop3A_384[%add3A_248] : memref<512xf32, #tpu.memory_space<vmem>>[vector<16xi32>], vector<16xf32>,
        %parallel_loop3A_386 = tpu.memref_slice %arg5[%parallel_loop3A_295] : memref<32768xf32, #tpu.memory_space<vmem>> -> memref<512xf32, #tpu.memory_space<vmem>>
        %parallel_loop3A_387 = tpu.vector_load_idx %parallel_loop3A_386[%add3A_251] : memref<512xf32, #tpu.memory_space<vmem>>[vector<16xi32>], vector<16xf32>,
        %parallel_loop3A_388 = arith.maximumf %parallel_loop3A_381, %parallel_loop3A_383 : vector<16xf32>
        %parallel_loop3A_389 = arith.maximumf %parallel_loop3A_385, %parallel_loop3A_387 : vector<16xf32>
        %parallel_loop3A_390 = arith.maximumf %parallel_loop3A_388, %parallel_loop3A_389 : vector<16xf32>
        %parallel_loop3A_391 = arith.constant 2 : i32
        %parallel_loop3A_392 = arith.muli %parallel_loop3A_391, %parallel_loop3A_293 : i32
        %parallel_loop3A_393 = arith.constant 1 : i32
        %parallel_loop3A_394 = arith.addi %parallel_loop3A_392, %parallel_loop3A_393 : i32
        %parallel_loop3A_395 = arith.index_cast %parallel_loop3A_394 : i32 to index
        %parallel_loop3A_396 = arith.constant 32 : index
        %parallel_loop3A_397 = tpu.vector_load %arg7[%parallel_loop3A_395, %parallel_loop3A_396] {strides = array<i32>} : memref<128x64xf32, #tpu.memory_space<vmem>>, vector<16xf32>,
        tpu.vector_store %arg7[%parallel_loop3A_395, %parallel_loop3A_396], %parallel_loop3A_390 {strides = array<i32>} : memref<128x64xf32, #tpu.memory_space<vmem>>, vector<16xf32>,
        %parallel_loop3A_398 = tpu.memref_slice %arg5[%parallel_loop3A_295] : memref<32768xf32, #tpu.memory_space<vmem>> -> memref<512xf32, #tpu.memory_space<vmem>>
        %parallel_loop3A_399 = tpu.vector_load_idx %parallel_loop3A_398[%add3A_254] : memref<512xf32, #tpu.memory_space<vmem>>[vector<16xi32>], vector<16xf32>,
        %parallel_loop3A_400 = tpu.memref_slice %arg5[%parallel_loop3A_295] : memref<32768xf32, #tpu.memory_space<vmem>> -> memref<512xf32, #tpu.memory_space<vmem>>
        %parallel_loop3A_401 = tpu.vector_load_idx %parallel_loop3A_400[%add3A_257] : memref<512xf32, #tpu.memory_space<vmem>>[vector<16xi32>], vector<16xf32>,
        %parallel_loop3A_402 = tpu.memref_slice %arg5[%parallel_loop3A_295] : memref<32768xf32, #tpu.memory_space<vmem>> -> memref<512xf32, #tpu.memory_space<vmem>>
        %parallel_loop3A_403 = tpu.vector_load_idx %parallel_loop3A_402[%add3A_260] : memref<512xf32, #tpu.memory_space<vmem>>[vector<16xi32>], vector<16xf32>,
        %parallel_loop3A_404 = tpu.memref_slice %arg5[%parallel_loop3A_295] : memref<32768xf32, #tpu.memory_space<vmem>> -> memref<512xf32, #tpu.memory_space<vmem>>
        %parallel_loop3A_405 = tpu.vector_load_idx %parallel_loop3A_404[%add3A_263] : memref<512xf32, #tpu.memory_space<vmem>>[vector<16xi32>], vector<16xf32>,
        %parallel_loop3A_406 = arith.maximumf %parallel_loop3A_399, %parallel_loop3A_401 : vector<16xf32>
        %parallel_loop3A_407 = arith.maximumf %parallel_loop3A_403, %parallel_loop3A_405 : vector<16xf32>
        %parallel_loop3A_408 = arith.maximumf %parallel_loop3A_406, %parallel_loop3A_407 : vector<16xf32>
        %parallel_loop3A_409 = arith.constant 2 : i32
        %parallel_loop3A_410 = arith.muli %parallel_loop3A_409, %parallel_loop3A_293 : i32
        %parallel_loop3A_411 = arith.index_cast %parallel_loop3A_410 : i32 to index
        %parallel_loop3A_412 = arith.constant 48 : index
        %parallel_loop3A_413 = tpu.vector_load %arg7[%parallel_loop3A_411, %parallel_loop3A_412] {strides = array<i32>} : memref<128x64xf32, #tpu.memory_space<vmem>>, vector<16xf32>,
        tpu.vector_store %arg7[%parallel_loop3A_411, %parallel_loop3A_412], %parallel_loop3A_408 {strides = array<i32>} : memref<128x64xf32, #tpu.memory_space<vmem>>, vector<16xf32>,
        %parallel_loop3A_414 = tpu.memref_slice %arg5[%parallel_loop3A_295] : memref<32768xf32, #tpu.memory_space<vmem>> -> memref<512xf32, #tpu.memory_space<vmem>>
        %parallel_loop3A_415 = tpu.vector_load_idx %parallel_loop3A_414[%add3A_266] : memref<512xf32, #tpu.memory_space<vmem>>[vector<16xi32>], vector<16xf32>,
        %parallel_loop3A_416 = tpu.memref_slice %arg5[%parallel_loop3A_295] : memref<32768xf32, #tpu.memory_space<vmem>> -> memref<512xf32, #tpu.memory_space<vmem>>
        %parallel_loop3A_417 = tpu.vector_load_idx %parallel_loop3A_416[%add3A_269] : memref<512xf32, #tpu.memory_space<vmem>>[vector<16xi32>], vector<16xf32>,
        %parallel_loop3A_418 = tpu.memref_slice %arg5[%parallel_loop3A_295] : memref<32768xf32, #tpu.memory_space<vmem>> -> memref<512xf32, #tpu.memory_space<vmem>>
        %parallel_loop3A_419 = tpu.vector_load_idx %parallel_loop3A_418[%add3A_272] : memref<512xf32, #tpu.memory_space<vmem>>[vector<16xi32>], vector<16xf32>,
        %parallel_loop3A_420 = tpu.memref_slice %arg5[%parallel_loop3A_295] : memref<32768xf32, #tpu.memory_space<vmem>> -> memref<512xf32, #tpu.memory_space<vmem>>
        %parallel_loop3A_421 = tpu.vector_load_idx %parallel_loop3A_420[%add3A_275] : memref<512xf32, #tpu.memory_space<vmem>>[vector<16xi32>], vector<16xf32>,
        %parallel_loop3A_422 = arith.maximumf %parallel_loop3A_415, %parallel_loop3A_417 : vector<16xf32>
        %parallel_loop3A_423 = arith.maximumf %parallel_loop3A_419, %parallel_loop3A_421 : vector<16xf32>
        %parallel_loop3A_424 = arith.maximumf %parallel_loop3A_422, %parallel_loop3A_423 : vector<16xf32>
        %parallel_loop3A_425 = arith.constant 2 : i32
        %parallel_loop3A_426 = arith.muli %parallel_loop3A_425, %parallel_loop3A_293 : i32
        %parallel_loop3A_427 = arith.constant 1 : i32
        %parallel_loop3A_428 = arith.addi %parallel_loop3A_426, %parallel_loop3A_427 : i32
        %parallel_loop3A_429 = arith.index_cast %parallel_loop3A_428 : i32 to index
        %parallel_loop3A_430 = arith.constant 48 : index
        %parallel_loop3A_431 = tpu.vector_load %arg7[%parallel_loop3A_429, %parallel_loop3A_430] {strides = array<i32>} : memref<128x64xf32, #tpu.memory_space<vmem>>, vector<16xf32>,
        tpu.vector_store %arg7[%parallel_loop3A_429, %parallel_loop3A_430], %parallel_loop3A_424 {strides = array<i32>} : memref<128x64xf32, #tpu.memory_space<vmem>>, vector<16xf32>,
      } {sc.loop_unroll_factor = 2 : i64, sc.parallel_access}
      %add3A_279 = arith.addi %mul3A_4, %scan3A_36 : i32
      %dma_start3A_280 = arith.constant 128 : i32
      %dma_start3A_281 = arith.constant 0 : i32
      %dma_start3A_282 = tpu.memref_slice %arg3[%add3A_279, %dma_start3A_280, %dma_start3A_281] : memref<768x256x64xf32, #tpu.memory_space<hbm>> -> memref<1x128x64xf32, #tpu.memory_space<hbm>>
      %dma_start3A_283 = tpu.memref_squeeze %dma_start3A_282 : memref<1x128x64xf32, #tpu.memory_space<hbm>> -> memref<128x64xf32, #tpu.memory_space<hbm>>
      %dma_start3A_284 = arith.constant 128 : i32
      %dma_start3A_285 = arith.constant 0 : i32
      %dma_start3A_286 = tpu.memref_slice %arg3[%add3A_279, %dma_start3A_284, %dma_start3A_285] : memref<768x256x64xf32, #tpu.memory_space<hbm>> -> memref<1x128x64xf32, #tpu.memory_space<hbm>>
      %dma_start3A_287 = tpu.memref_squeeze %dma_start3A_286 : memref<1x128x64xf32, #tpu.memory_space<hbm>> -> memref<128x64xf32, #tpu.memory_space<hbm>>
      tpu.enqueue_dma source(%arg7 : memref<128x64xf32, #tpu.memory_space<vmem>>) target(%dma_start3A_287 : memref<128x64xf32, #tpu.memory_space<hbm>>) target_semaphore(%arg11 : memref<!tpu.dma_semaphore, #tpu.memory_space<semaphore_mem>>)
      %lt3A_288 = arith.constant 23 : i32
      %lt3A_289 = arith.cmpi slt, %scan3A_36, %lt3A_288 : i32
      %convert_element_type3A_290 = arith.extui %lt3A_289 : i1 to i32
      %cond3A_291 = arith.constant 0 : i32
      %cond3A_292 = arith.cmpi ne, %convert_element_type3A_290, %cond3A_291 : i32
      scf.if %cond3A_292 {
        %add3A_293 = arith.constant 1 : i32
        %add3A_294 = arith.addi %scan3A_36, %add3A_293 : i32
        %mul3A_295 = arith.constant 2 : i32
        %mul3A_296 = arith.muli %mul3A_295, %add3A_294 : i32
        %add3A_297 = arith.constant 1 : i32
        %add3A_298 = arith.addi %mul3A_296, %add3A_297 : i32
        %mul3A_299 = arith.constant 32768 : i32
        %mul3A_300 = arith.muli %add3A_298, %mul3A_299 : i32
        %add3A_301 = arith.addi %mul3A_2, %mul3A_300 : i32
        %dma_start3A_302 = tpu.memref_slice %arg2[%add3A_301] : memref<50331648xf32, #tpu.memory_space<hbm>> -> memref<32768xf32, #tpu.memory_space<hbm>>
        %dma_start3A_303 = tpu.memref_slice %arg2[%add3A_301] : memref<50331648xf32, #tpu.memory_space<hbm>> -> memref<32768xf32, #tpu.memory_space<hbm>>
        tpu.enqueue_dma source(%dma_start3A_303 : memref<32768xf32, #tpu.memory_space<hbm>>) target(%arg5 : memref<32768xf32, #tpu.memory_space<vmem>>) target_semaphore(%arg9 : memref<!tpu.dma_semaphore, #tpu.memory_space<semaphore_mem>>)
      } else {
      }
    }
    %scan3A_16 = arith.constant 24 : i32
    %add3A_17 = arith.constant 23 : i32
    %add3A_18 = arith.addi %mul3A_4, %add3A_17 : i32
    %dma_wait3A = arith.constant 0 : i32
    %dma_wait3A_19 = arith.constant 0 : i32
    %dma_wait3A_20 = tpu.memref_slice %arg3[%add3A_18, %dma_wait3A, %dma_wait3A_19] : memref<768x256x64xf32, #tpu.memory_space<hbm>> -> memref<1x128x64xf32, #tpu.memory_space<hbm>>
    %dma_wait3A_21 = tpu.memref_squeeze %dma_wait3A_20 : memref<1x128x64xf32, #tpu.memory_space<hbm>> -> memref<128x64xf32, #tpu.memory_space<hbm>>
    %dma_wait3A_22 = arith.constant 0 : i32
    %dma_wait3A_23 = arith.constant 0 : i32
    %dma_wait3A_24 = tpu.memref_slice %arg3[%add3A_18, %dma_wait3A_22, %dma_wait3A_23] : memref<768x256x64xf32, #tpu.memory_space<hbm>> -> memref<1x128x64xf32, #tpu.memory_space<hbm>>
    %dma_wait3A_25 = tpu.memref_squeeze %dma_wait3A_24 : memref<1x128x64xf32, #tpu.memory_space<hbm>> -> memref<128x64xf32, #tpu.memory_space<hbm>>
    tpu.wait_dma2 semaphore(%arg10 : memref<!tpu.dma_semaphore, #tpu.memory_space<semaphore_mem>>) src(%arg6 : memref<128x64xf32, #tpu.memory_space<vmem>>) dst(%dma_wait3A_25 : memref<128x64xf32, #tpu.memory_space<hbm>>)
    %add3A_26 = arith.constant 23 : i32
    %add3A_27 = arith.addi %mul3A_4, %add3A_26 : i32
    %dma_wait3A_28 = arith.constant 128 : i32
    %dma_wait3A_29 = arith.constant 0 : i32
    %dma_wait3A_30 = tpu.memref_slice %arg3[%add3A_27, %dma_wait3A_28, %dma_wait3A_29] : memref<768x256x64xf32, #tpu.memory_space<hbm>> -> memref<1x128x64xf32, #tpu.memory_space<hbm>>
    %dma_wait3A_31 = tpu.memref_squeeze %dma_wait3A_30 : memref<1x128x64xf32, #tpu.memory_space<hbm>> -> memref<128x64xf32, #tpu.memory_space<hbm>>
    %dma_wait3A_32 = arith.constant 128 : i32
    %dma_wait3A_33 = arith.constant 0 : i32
    %dma_wait3A_34 = tpu.memref_slice %arg3[%add3A_27, %dma_wait3A_32, %dma_wait3A_33] : memref<768x256x64xf32, #tpu.memory_space<hbm>> -> memref<1x128x64xf32, #tpu.memory_space<hbm>>
    %dma_wait3A_35 = tpu.memref_squeeze %dma_wait3A_34 : memref<1x128x64xf32, #tpu.memory_space<hbm>> -> memref<128x64xf32, #tpu.memory_space<hbm>>
    tpu.wait_dma2 semaphore(%arg11 : memref<!tpu.dma_semaphore, #tpu.memory_space<semaphore_mem>>) src(%arg7 : memref<128x64xf32, #tpu.memory_space<vmem>>) dst(%dma_wait3A_35 : memref<128x64xf32, #tpu.memory_space<hbm>>)
    return
  }
}

</mosaic_0001>

<sc_bundles>
// kernel: kernel.3.cloned.1.call-start
scs
__scs_entry_jumppad:
0x0: {  	(pc) =	sbr.rel $0x88, $3  }
0x1: {  	(tag) =	ssettag $0x0;
	lr =	simm.s32 $0x1  }
0x2: {  	[smem:$0x3FA0] =	sst lr;
	_ =	strace $0xD0000000  }
0x3: {  	_ = 	snop  }
0x4: {  	_ = 	snop  }
0x5: {  	_ = 	snop  }
0x6: {  	_ = 	snop  }
0x7: {  	_ = 	snop  }
__scs_overlays_trampoline_lowered:
0x8: {  	[smem:$0x3FAF] =	sst s0  }
0x9: {  	[smem:$0x3FB0] =	sst s1  }
0xa: {  	[smem:$0x3FB1] =	sst s2  }
0xb: {  	[smem:$0x3FB2] =	sst s3  }
0xc: {  	[smem:$0x3FB3] =	sst s4  }
0xd: {  	[smem:$0x3FB4] =	sst s5  }
0xe: {  	[smem:$0x3FB5] =	sst s6  }
0xf: {  	[smem:$0x3FB6] =	sst s7  }
0x10: {  	[smem:$0x3FB7] =	sst s8  }
0x11: {  	[smem:$0x3FB8] =	sst s9;
	s0 =	simm.s32 @!p0 $0x0  }
0x12: {  	s1 =	sld [smem:$0x3F9E];
	s0 =	simm.s32 @p0 $0x1  }
0x13: {  	[smem:$0x3FB9] =	sst s0;
	s0 =	simm.s32 @!p1 $0x0  }
0x14: {  	s2 =	sld [smem:$0x3F9D];
	s0 =	simm.s32 @p1 $0x1  }
0x15: {  	[smem:$0x3FBA] =	sst s0;
	s0 =	simm.s32 @!p2 $0x0  }
0x16: {  	s3 =	sld [smem:$0x3FDB];
	s0 =	simm.s32 @p2 $0x1  }
0x17: {  	s4 =	simm.s32 $0x1BF5;
	[smem:$0x3FBC] =	sst s0  }
0x18: {  	s0 =	sld [smem:$0x3F9F];
	_ =	swait.ge [sflag:s4], $0x0  }
0x19: {  	s7 =	sld [smem:$0x3FA0]  }
0x1a: {  	s8 =	sadd.s32 $0xFFFFE003, lr  }
0x1b: {  	s9 =	sadd.s32 $0xFFFFFEF7, lr;
	s5 =	simm.s32 $0xFFFFFFFF;
	p2 =	slt.u32 s8, $0xFFFFF086  }
0x1c: {  	p1 =	slt.u32 s9, $0xF7A;
	s5 =	simm.s32 @!p2 $0x0  }
0x1d: {  	s5 =	simm.s32 @p1 $0x1;
	p0 =	seq.s32 s7, s2  }
0x1e: {  	s7 =	smul.u32 @!p0 $0xF7A, s2;
	p2 =	seq.s32 @!p0 s5, $0x0  }
0x1f: {  	s9 =	smul.u32 $0xF7A, s1;
	s8 =	simm.s32 @!p0 $0x1BF5;
	p2 =	por !p2, p0  }
0x20: {  	[sflag:s8] =	ssyncset.s32 @!p0 $0xFFFFF086;
	s6 =	sadd.s32 @!p0 s3, s7;
	s7 =	simm.s32 @!p0 $0x108  }
0x21: {  	s3 =	sadd.s32 s3, s9;
	s6 =	sadd.s32 @!p0 $0x88, s6;
	s7 =	simm.s32 @p2 $0x1082  }
0x22: {  	[simem:s7], [sflag:s8] =	dma.local @!p0 [hbm:s6], $0xF7A  }
0x23: {  	s9 =	sor.u32 $0xD0000000, s2;
	s6 =	simm.s32 $0x108;
	_ =	swait.ge @!p0 [sflag:s8], $0x0  }
0x24: {  	s3 =	sadd.s32 $0x88, s3;
	s6 =	simm.s32 @!p1 $0x1082;
	[sflag:s4] =	ssyncset.s32 $0xFFFFF086  }
0x25: {  	[simem:s6], [sflag:s4] =	dma.local [hbm:s3], $0xF7A  }
0x26: {  	[smem:$0x3FA0] =	sst s1;
	(tag) =	ssettag s2;
	_ =	strace s9  }
0x27: {  	s1 =	sld [smem:$0x3FB0]  }
0x28: {  	s2 =	sld [smem:$0x3FB1]  }
0x29: {  	s4 =	sld [smem:$0x3FB3]  }
0x2a: {  	p0 =	seq.s32 s5, $0x0;
	s5 =	sld [smem:$0x3FB4]  }
0x2b: {  	s6 =	sld [smem:$0x3FB5]  }
0x2c: {  	s7 =	sld [smem:$0x3FB6]  }
0x2d: {  	s3 =	simm.s32 $0x108;
	s8 =	sld [smem:$0x3FB7]  }
0x2e: {  	s3 =	simm.s32 @!p0 $0x1082;
	s9 =	sld [smem:$0x3FB8]  }
0x2f: {  	lr =	sadd.s32 s0, s3;
	s0 =	sld [smem:$0x3FAF]  }
0x30: {  	s3 =	sld [smem:$0x3FB2]  }
0x31: {  	[smem:$0x3FBB] =	sst s10  }
0x32: {  	s10 =	sld [smem:$0x3FB9];
	_ =	sdelay $0x3  }
0x33: {  	p0 =	seq.s32 s10, $0x1;
	s10 =	sld [smem:$0x3FBB];
	_ =	sdelay $0x3  }
0x34: {  	[smem:$0x3FBB] =	sst s10  }
0x35: {  	s10 =	sld [smem:$0x3FBA];
	_ =	sdelay $0x3  }
0x36: {  	p1 =	seq.s32 s10, $0x1;
	s10 =	sld [smem:$0x3FBB];
	_ =	sdelay $0x3  }
0x37: {  	[smem:$0x3FBB] =	sst s10  }
0x38: {  	s10 =	sld [smem:$0x3FBC]  }
0x39: {  	_ = 	snop;
	(pc) =	sbr.ind lr, $3  }
0x3a: {  	_ = 	snop  }
0x3b: {  	_ = 	snop  }
0x3c: {  	p2 =	seq.s32 s10, $0x1;
	s10 =	sld [smem:$0x3FBB]  }
0x3d: {  	_ =	shalt  }
0x3e: {  	_ =	shalt  }
0x3f: {  	_ =	shalt  }
0x40: {  	_ =	shalt  }
0x41: {  	_ =	shalt  }
0x42: {  	_ =	shalt  }
0x43: {  	_ =	shalt  }
0x44: {  	_ =	shalt  }
0x45: {  	_ =	shalt  }
0x46: {  	_ =	shalt  }
0x47: {  	_ =	shalt  }
0x48: {  	_ =	shalt  }
0x49: {  	_ =	shalt  }
0x4a: {  	_ =	shalt  }
0x4b: {  	_ =	shalt  }
0x4c: {  	_ =	shalt  }
0x4d: {  	_ =	shalt  }
0x4e: {  	_ =	shalt  }
0x4f: {  	_ =	shalt  }
0x50: {  	_ =	shalt  }
0x51: {  	_ =	shalt  }
0x52: {  	_ =	shalt  }
0x53: {  	_ =	shalt  }
0x54: {  	_ =	shalt  }
0x55: {  	_ =	shalt  }
0x56: {  	_ =	shalt  }
0x57: {  	_ =	shalt  }
0x58: {  	_ =	shalt  }
0x59: {  	_ =	shalt  }
0x5a: {  	_ =	shalt  }
0x5b: {  	_ =	shalt  }
0x5c: {  	_ =	shalt  }
0x5d: {  	_ =	shalt  }
0x5e: {  	_ =	shalt  }
0x5f: {  	_ =	shalt  }
0x60: {  	_ =	shalt  }
0x61: {  	_ =	shalt  }
0x62: {  	_ =	shalt  }
0x63: {  	_ =	shalt  }
0x64: {  	_ =	shalt  }
0x65: {  	_ =	shalt  }
0x66: {  	_ =	shalt  }
0x67: {  	_ =	shalt  }
0x68: {  	_ =	shalt  }
0x69: {  	_ =	shalt  }
0x6a: {  	_ =	shalt  }
0x6b: {  	_ =	shalt  }
0x6c: {  	_ =	shalt  }
0x6d: {  	_ =	shalt  }
0x6e: {  	_ =	shalt  }
0x6f: {  	_ =	shalt  }
0x70: {  	_ =	shalt  }
0x71: {  	_ =	shalt  }
0x72: {  	_ =	shalt  }
0x73: {  	_ =	shalt  }
0x74: {  	_ =	shalt  }
0x75: {  	_ =	shalt  }
0x76: {  	_ =	shalt  }
0x77: {  	_ =	shalt  }
0x78: {  	_ =	shalt  }
0x79: {  	_ =	shalt  }
0x7a: {  	_ =	shalt  }
0x7b: {  	_ =	shalt  }
0x7c: {  	_ =	shalt  }
0x7d: {  	_ =	shalt  }
0x7e: {  	_ =	shalt  }
0x7f: {  	_ =	shalt  }
0x80: {  	_ =	shalt  }
0x81: {  	_ =	shalt  }
0x82: {  	_ =	shalt  }
0x83: {  	_ =	shalt  }
0x84: {  	_ =	shalt  }
0x85: {  	_ =	shalt  }
0x86: {  	_ =	shalt  }
0x87: {  	_ =	shalt  }
.Lfunc_end0:
.L_simem_size_0:
called_computation.1_lowered:
.L_overlay_start_0:
0x88: {  	s2 =	sld [smem:$0x3FD9]  }
0x89: {  	s3 =	sld [smem:$0x3FFE];
	_ =	sdelay $0x1  }
0x8a: {  	s1 =	srdreg.scid  }
0x8b: {  	s0 =	sand.u32 $0x1, s1  }
0x8c: {  	s17 =	sshll.u32 s0, $0xA;
	s2 =	sadd.s32 s3, s2  }
0x8d: {  	s2 =	sadd.s32 s2, s17  }
0x8e: {  	[smem:$0x3FC7] =	sst s2  }
0x8f: {  	_ = 	snop  }
0x90: {  	s2 =	sld [smem:$0x3FC9];
	(tm) =	ssettm $0x1  }
0x91: {  	s18 =	sld [smem:$0x3FFB];
	_ =	sdelay $0x3  }
0x92: {  	_ =	strace s18  }
0x93: {  	s3 =	sld [smem:$0x3FFC];
	_ =	sdelay $0x3  }
0x94: {  	_ =	strace s3  }
0x95: {  	s3 =	sld [smem:$0x3FFD];
	_ =	sdelay $0x3  }
0x96: {  	_ =	strace s3  }
0x97: {  	_ =	strace $0x8FFFFFFF  }
0x98: {  	s19 =	sld [smem:$0x3FDB];
	_ =	sdelay $0x1  }
0x99: {  	s4 =	simm.s32 $_scs_section_size  }
0x9a: {  	s5 =	simm.s32 $_size__tile_overlayer_lowered;
	s6 =	simm.s32 $_tile_overlayer_lowered  }
0x9b: {  	s22 =	simm.s32 $0x1BFF;
	s21 =	sshll.u32 s6, $0x1;
	s3 =	sadd.s32 s4, s19  }
0x9c: {  	s7 =	simm.s32 $0x0;
	s20 =	sshll.u32 s5, $0x1;
	s5 =	sadd.s32 s21, s3  }
0x9d: {  	[timem:s7], [sflag:s22] =	dma.local [hbm:s5], s20  }
0x9e: {  	_ =	swait.ge [sflag:s22], s20  }
0x9f: {  	s4 =	ssub.s32 $0x0, s20;
	[sflag:s22] =	ssyncset.done $0x0  }
0xa0: {  	[sflag:s22] =	ssyncadd.s32 s4;
	_ =	sdelay $0x1  }
0xa1: {  	s23 =	simm.s32 $0x1B8B  }
0xa2: {  	_ =	swait.ge [sflag:s23], $0x1  }
0xa3: {  	[sflag:s23] =	ssyncset.done $0x0  }
0xa4: {  	s25 =	simm.s32 $0x1B8E;
	s24 =	sld [smem:$0x3FFE];
	[sflag:s23] =	ssyncadd.s32 $0xFFFFFFFF  }
0xa5: {  	s26 =	simm.s32 $execute0_lowered;
	[smem:$0x3FD2] =	sst s25  }
0xa6: {  	s5 =	sshll.u32 s26, $0x1;
	_ =	strace $0x80000046;
	[dreg:$0x1] =	wrdreg $0xFFFFFFFF  }
0xa7: {  	s28 =	simm.s32 $_size_execute0_lowered;
	s3 =	sadd.s32 s3, s5;
	[dreg:$0x0] =	wrdreg $0x0  }
0xa8: {  	s5 =	sshll.u32 s28, $0x1;
	[dreg:$0x2] =	wrdreg s3  }
0xa9: {  	[dreg:$0x3] =	wrdreg s5  }
0xaa: {  	[dreg:$0x4] =	wrdreg $0xC0  }
0xab: {  	_ =	task [dreg:s7], $0x5FFFF  }
0xac: {  	[dreg:$0x1] =	wrdreg $0xFFFFFFFF  }
0xad: {  	[dreg:$0x0] =	wrdreg $0x60  }
0xae: {  	[dreg:$0x2] =	wrdreg s2  }
0xaf: {  	[dreg:$0x3] =	wrdreg s24  }
0xb0: {  	[dreg:$0x4] =	wrdreg $0x9  }
0xb1: {  	_ =	task.clear_ibuf [dreg:s7], $0x5FFFF;
	_ =	strace $0x90000046  }
0xb2: {  	s29 =	simm.s32 $0x9;
	_ =	strace $0x80000048  }
0xb3: {  	_ =	swait.ge [sflag:s29], $0x1  }
0xb4: {  	[sflag:s29] =	ssyncadd.s32 $0xFFFFFFFF  }
0xb5: {  	_ =	strace $0x90000048  }
0xb6: {  	_ =	sfence  }
0xb7: {  	s30 =	sld [smem:$0x0];
	_ =	sdelay $0x2  }
0xb8: {  	s31 =	sshll.u32 s1, $0xD;
	s1 =	sshrl.u32 s1, $0x2  }
0xb9: {  	s3 =	sand.u32 $0x4000, s31;
	s1 =	sadd.s32 s1, s30  }
0xba: {  	s0 =	sor.u32 s3, s0;
	s1 =	sshll.u32 s1, $0x11  }
0xbb: {  	s0 =	sor.u32 s1, s0  }
0xbc: {  	s0 =	sadd.s32 $0x8F2B, s0  }
0xbd: {  	[sflag:s0] =	ssyncadd.remote.s32 $0x1  }
0xbe: {  	_ =	sfence.sel $0xFFFF  }
0xbf: {  	[dreg:$0x0] =	wrdreg $0xFFFFFFFF;
	(pc) =	sbr.abs _section_cstart, $3  }
0xc0: {  	[dreg:$0x1] =	wrdreg $0xFFFFFFFF  }
0xc1: {  	_ =	task.clear_ibuf [dreg:s7], $0x2FFFF;
	_ =	strace $0x9FFFFFFF  }
0xc2: {  	(tm) =	ssettm $0x7FFFFFFF  }
0xc3: {  	_ =	shalt  }
tec
execute0_lowered:
.L_overlay_start_1:
0x0: {  	(tag) =	ssettag $0x1  }
0x1: {  	v0 =	vlaneseq.u32  }
0x2: {  	v0 =	vmul.u32 $0x2, v0  }
0x3: {  	s2 =	srdreg.scid  }
0x4: {  	s0 =	stileid.u32;
	s1 =	rddreg [dreg:$0x0];
	v1 =	vor.u32 $0x1, v0  }
0x5: {  	s9 =	rddreg [dreg:$0x1];
	s3 =	simm.s32 $0x0;
	s12 =	simm.s32 $0x8000;
	v2 =	vor.u32 $0x81, v0;
	v3 =	vor.u32 $0x101, v0;
	v4 =	vor.u32 $0x80, v0  }
0x6: {  	s13 =	simm.s32 $0x1;
	s14 =	simm.s32 $0x10000;
	s15 =	simm.s32 $0x2;
	v5 =	vor.u32 $0x100, v0;
	v6 =	vor.u32 $0x180, v0;
	v7 =	vor.u32 $0x181, v0  }
0x7: {  	s16 =	simm.s32 $0x4;
	s4 =	sand.u32 $0x1, s2;
	s31 =	sshll.u32 s0, $0x1;
	v8 =	vor.u32 $0x20, v0;
	v9 =	vor.u32 $0x21, v0;
	v10 =	vor.u32 $0xA1, v0  }
0x8: {  	s17 =	simm.s32 $0x14000;
	s18 =	simm.s32 $0x3;
	s6 =	sor.u32 s4, s31;
	v11 =	vor.u32 $0x121, v0;
	v12 =	vor.u32 $0xA0, v0;
	v13 =	vor.u32 $0x120, v0  }
0x9: {  	s19 =	simm.s32 $0x0;
	[smem:$0x7FF] =	sst s3;
	s10 =	smul.u32 $0x180000, s6;
	v14 =	vor.u32 $0x1A0, v0;
	v15 =	vor.u32 $0x1A1, v0;
	v16 =	vor.u32 $0x40, v0  }
.Ltmp0:
0xa: {  	s2 =	rddreg [dreg:$0x2];
	_ =	strace $0x80000047;
	v17 =	vor.u32 $0x41, v0;
	v18 =	vor.u32 $0xC1, v0;
	v19 =	vor.u32 $0x141, v0;
	(pc) =	sbr.rel .LBB2_1-.Ltmp0, $4  }
0xb: {  	s7 =	ssub.s32 $0x2, s4;
	s4 =	sadd.s32 $0x800, s9;
	s9 =	sadd.s32 $0x1000, s9;
	v20 =	vor.u32 $0xC0, v0;
	v21 =	vor.u32 $0x140, v0;
	v22 =	vor.u32 $0x1C0, v0  }
0xc: {  	s8 =	sshrl.u32 s7, $0x1;
	s6 =	smul.u32 $0x18, s6;
	v23 =	vor.u32 $0x1C1, v0;
	v24 =	vor.u32 $0x60, v0;
	v25 =	vor.u32 $0x61, v0;
	s5 =	sshrl.u32 s10, $0x3  }
0xd: {  	v26 =	vor.u32 $0xE1, v0;
	v27 =	vor.u32 $0x161, v0;
	v28 =	vor.u32 $0xE0, v0;
	s11 =	ssub.s32 s7, s8;
	s8 =	sor.u32 $0x10000, s10;
	s5 =	sadd.s32 s1, s5  }
0xe: {  	v29 =	vor.u32 $0x160, v0;
	v30 =	vor.u32 $0x1E0, v0;
	v31 =	vor.u32 $0x1E1, v0;
	s10 =	sor.u32 $0x18000, s10;
	s11 =	smax.u32 s11, $0x1;
	s7 =	sadd.s32 $0x1000, s5  }
.LBB2_12:
0xf: {  	s19 =	sadd.s32 $0x1, s19  }
0x10: {  	_ =	swait.ge [sflag:s18], $0x4000;
	p0 =	sne.s32 s19, s11  }
.Ltmp1:
0x11: {  	[sflag:s18] =	ssyncset.done $0x0;
	(pc) =	sbr.rel @!p0 .LBB2_13-.Ltmp1, $4  }
0x12: {  	[sflag:s18] =	ssyncadd.s32 $0xFFFFC000  }
0x13: {  	_ =	swait.ge [sflag:s16], $0x4000  }
0x14: {  	[sflag:s16] =	ssyncset.done $0x0  }
0x15: {  	[sflag:s16] =	ssyncadd.s32 $0xFFFFC000  }
.LBB2_1:
0x16: {  	[tilespmem:s3], [sflag:$0x1] =	stream.linear.gather [hbm4b:s5+s3], $0x8000, $0x38;
	[tilespmem:$0x18000] =	vst v63  }
0x17: {  	s20 =	simm.s32 $0x0  }
0x18: {  	[tilespmem:s12], [sflag:$0x2] =	stream.linear.gather [hbm4b:s7+s3], $0x8000, $0x38;
	[tilespmem:$0x18000] =	vst v63  }
.LBB2_2:
0x19: {  	_ =	swait.ge [sflag:s13], $0x8000  }
0x1a: {  	p0 =	seq.s32 s20, $0x0;
	[sflag:s13] =	ssyncset.done $0x0  }
0x1b: {  	s21 =	simm.s32 @!p0 $0x3;
	[sflag:s13] =	ssyncadd.s32 $0xFFFF8000  }
0x1c: {  	_ =	swait.ge @!p0 [sflag:s21], $0x4000  }
0x1d: {  	[sflag:s21] =	ssyncset.done @!p0 $0x0  }
0x1e: {  	s24 =	simm.s32 $0x0;
	[sflag:s21] =	ssyncadd.s32 @!p0 $0xFFFFC000  }
0x1f: {  	v32 =	vld.idx.msk [tilespmem:v0+s24+$0x200], $0xffff  }
0x20: {  	v33 =	vld.idx.msk [tilespmem:v1+s24+$0x200], $0xffff  }
0x21: {  	v34 =	vld.idx.msk [tilespmem:v2+s24+$0x200], $0xffff  }
0x22: {  	v35 =	vld.idx.msk [tilespmem:v3+s24+$0x200], $0xffff;
	_ =	sdelay $0x3  }
0x23: {  	v36 =	vld.idx.msk [tilespmem:v1+s24+$0x0], $0xffff  }
0x24: {  	v37 =	vld.idx.msk [tilespmem:v2+s24+$0x0], $0xffff;
	v32 =	vmax.f32 v32, v33;
	v55 =	vmax.f32 v34, v35  }
0x25: {  	s21 =	simm.s32 $0x10100;
	v56 =	vld.idx.msk [tilespmem:v3+s24+$0x0], $0xffff;
	v32 =	vmax.f32 v32, v55  }
0x26: {  	v57 =	vld.idx.msk [tilespmem:v0+s24+$0x0], $0xffff;
	[tilespmem:s21+$0x0] =	vst v32  }
0x27: {  	v32 =	vld.idx.msk [tilespmem:v4+s24+$0x200], $0xffff  }
0x28: {  	v58 =	vld.idx.msk [tilespmem:v5+s24+$0x200], $0xffff  }
0x29: {  	v38 =	vld.idx.msk [tilespmem:v6+s24+$0x200], $0xffff  }
0x2a: {  	v39 =	vld.idx.msk [tilespmem:v7+s24+$0x200], $0xffff  }
0x2b: {  	v34 =	vmax.f32 v37, v56;
	v33 =	vmax.f32 v57, v36  }
0x2c: {  	v33 =	vmax.f32 v33, v34  }
0x2d: {  	[tilespmem:s21+$0xFFFFFF00] =	vst v33  }
0x2e: {  	v33 =	vld.idx.msk [tilespmem:v4+s24+$0x0], $0xffff  }
0x2f: {  	v59 =	vld.idx.msk [tilespmem:v5+s24+$0x0], $0xffff;
	v32 =	vmax.f32 v32, v58;
	v60 =	vmax.f32 v38, v39  }
0x30: {  	v61 =	vld.idx.msk [tilespmem:v6+s24+$0x0], $0xffff;
	v32 =	vmax.f32 v32, v60  }
0x31: {  	v62 =	vld.idx.msk [tilespmem:v7+s24+$0x0], $0xffff;
	[tilespmem:s21+$0x80] =	vst v32  }
0x32: {  	v32 =	vld.idx.msk [tilespmem:v8+s24+$0x200], $0xffff  }
0x33: {  	v63 =	vld.idx.msk [tilespmem:v9+s24+$0x200], $0xffff  }
0x34: {  	v42 =	vld.idx.msk [tilespmem:v10+s24+$0x200], $0xffff  }
0x35: {  	v43 =	vld.idx.msk [tilespmem:v11+s24+$0x200], $0xffff  }
0x36: {  	v33 =	vmax.f32 v33, v59;
	v44 =	vmax.f32 v61, v62  }
0x37: {  	v33 =	vmax.f32 v33, v44  }
0x38: {  	[tilespmem:s21+$0xFFFFFF80] =	vst v33  }
0x39: {  	v33 =	vld.idx.msk [tilespmem:v8+s24+$0x0], $0xffff  }
0x3a: {  	v45 =	vld.idx.msk [tilespmem:v9+s24+$0x0], $0xffff;
	v32 =	vmax.f32 v32, v63;
	v46 =	vmax.f32 v42, v43  }
0x3b: {  	v47 =	vld.idx.msk [tilespmem:v10+s24+$0x0], $0xffff;
	v32 =	vmax.f32 v32, v46  }
0x3c: {  	v48 =	vld.idx.msk [tilespmem:v11+s24+$0x0], $0xffff;
	[tilespmem:s21+$0x10] =	vst v32  }
0x3d: {  	v32 =	vld.idx.msk [tilespmem:v12+s24+$0x200], $0xffff  }
0x3e: {  	v49 =	vld.idx.msk [tilespmem:v13+s24+$0x200], $0xffff  }
0x3f: {  	v50 =	vld.idx.msk [tilespmem:v14+s24+$0x200], $0xffff  }
0x40: {  	v51 =	vld.idx.msk [tilespmem:v15+s24+$0x200], $0xffff  }
0x41: {  	s22 =	simm.s32 $0x400  }
0x42: {  	v40 =	vld.idx.msk [tilespmem:v0+s22+$0x200], $0xffff  }
0x43: {  	v41 =	vld.idx.msk [tilespmem:v1+s22+$0x200], $0xffff  }
0x44: {  	v44 =	vld.idx.msk [tilespmem:v1+s22+$0x0], $0xffff;
	v33 =	vmax.f32 v33, v45;
	v52 =	vmax.f32 v47, v48  }
0x45: {  	v42 =	vld.idx.msk [tilespmem:v2+s22+$0x200], $0xffff;
	v33 =	vmax.f32 v33, v52;
	v32 =	vmax.f32 v32, v49;
	v54 =	vmax.f32 v50, v51  }
0x46: {  	v43 =	vld.idx.msk [tilespmem:v3+s22+$0x200], $0xffff;
	[tilespmem:s21+$0xFFFFFF10] =	vst v33;
	v32 =	vmax.f32 v32, v54  }
0x47: {  	v33 =	vld.idx.msk [tilespmem:v12+s24+$0x0], $0xffff;
	[tilespmem:s21+$0x90] =	vst v32  }
0x48: {  	v32 =	vld.idx.msk [tilespmem:v16+s24+$0x200], $0xffff  }
0x49: {  	v57 =	vld.idx.msk [tilespmem:v17+s24+$0x200], $0xffff  }
0x4a: {  	v58 =	vld.idx.msk [tilespmem:v18+s24+$0x200], $0xffff  }
0x4b: {  	v59 =	vld.idx.msk [tilespmem:v19+s24+$0x200], $0xffff  }
0x4c: {  	v55 =	vld.idx.msk [tilespmem:v14+s24+$0x0], $0xffff  }
0x4d: {  	v56 =	vld.idx.msk [tilespmem:v15+s24+$0x0], $0xffff  }
0x4e: {  	v53 =	vld.idx.msk [tilespmem:v13+s24+$0x0], $0xffff  }
0x4f: {  	v40 =	vmax.f32 v40, v41;
	v52 =	vmax.f32 v42, v43;
	v49 =	vld.idx.msk [tilespmem:v2+s22+$0x0], $0xffff  }
0x50: {  	s23 =	simm.s32 $0x10300;
	v40 =	vmax.f32 v40, v52;
	v50 =	vld.idx.msk [tilespmem:v3+s22+$0x0], $0xffff;
	v32 =	vmax.f32 v32, v57;
	v61 =	vmax.f32 v58, v59  }
0x51: {  	[tilespmem:s23+$0x0] =	vst v40;
	v51 =	vld.idx.msk [tilespmem:v0+s22+$0x0], $0xffff;
	v32 =	vmax.f32 v32, v61  }
0x52: {  	v60 =	vmax.f32 v55, v56;
	v56 =	vld.idx.msk [tilespmem:v4+s22+$0x200], $0xffff;
	[tilespmem:s21+$0x20] =	vst v32  }
0x53: {  	v32 =	vld.idx.msk [tilespmem:v20+s24+$0x200], $0xffff  }
0x54: {  	v33 =	vmax.f32 v33, v53;
	v62 =	vld.idx.msk [tilespmem:v21+s24+$0x200], $0xffff  }
0x55: {  	v33 =	vmax.f32 v33, v60;
	v63 =	vld.idx.msk [tilespmem:v22+s24+$0x200], $0xffff  }
0x56: {  	[tilespmem:s21+$0xFFFFFF90] =	vst v33;
	v48 =	vld.idx.msk [tilespmem:v23+s24+$0x200], $0xffff  }
0x57: {  	v33 =	vld.idx.msk [tilespmem:v16+s24+$0x0], $0xffff  }
0x58: {  	v34 =	vld.idx.msk [tilespmem:v17+s24+$0x0], $0xffff  }
0x59: {  	v36 =	vld.idx.msk [tilespmem:v18+s24+$0x0], $0xffff  }
0x5a: {  	v35 =	vld.idx.msk [tilespmem:v19+s24+$0x0], $0xffff  }
0x5b: {  	v57 =	vld.idx.msk [tilespmem:v5+s22+$0x200], $0xffff;
	v32 =	vmax.f32 v32, v62;
	v38 =	vmax.f32 v63, v48  }
0x5c: {  	v58 =	vld.idx.msk [tilespmem:v6+s22+$0x200], $0xffff;
	v32 =	vmax.f32 v32, v38  }
0x5d: {  	v59 =	vld.idx.msk [tilespmem:v7+s22+$0x200], $0xffff;
	[tilespmem:s21+$0xA0] =	vst v32  }
0x5e: {  	v32 =	vld.idx.msk [tilespmem:v24+s24+$0x200], $0xffff  }
0x5f: {  	v37 =	vmax.f32 v49, v50;
	v38 =	vmax.f32 v51, v44;
	v53 =	vld.idx.msk [tilespmem:v25+s24+$0x200], $0xffff  }
0x60: {  	v37 =	vmax.f32 v38, v37;
	v54 =	vld.idx.msk [tilespmem:v26+s24+$0x200], $0xffff  }
0x61: {  	v55 =	vld.idx.msk [tilespmem:v27+s24+$0x200], $0xffff;
	[tilespmem:s23+$0xFFFFFF00] =	vst v37  }
0x62: {  	v60 =	vld.idx.msk [tilespmem:v4+s22+$0x0], $0xffff  }
0x63: {  	v33 =	vmax.f32 v33, v34;
	v51 =	vmax.f32 v36, v35;
	v61 =	vld.idx.msk [tilespmem:v5+s22+$0x0], $0xffff  }
0x64: {  	v33 =	vmax.f32 v33, v51;
	v62 =	vld.idx.msk [tilespmem:v6+s22+$0x0], $0xffff  }
0x65: {  	[tilespmem:s21+$0xFFFFFF20] =	vst v33;
	v63 =	vld.idx.msk [tilespmem:v7+s22+$0x0], $0xffff  }
0x66: {  	v46 =	vmax.f32 v56, v57;
	v56 =	vld.idx.msk [tilespmem:v21+s24+$0x0], $0xffff  }
0x67: {  	v57 =	vld.idx.msk [tilespmem:v22+s24+$0x0], $0xffff;
	v32 =	vmax.f32 v32, v53;
	v40 =	vmax.f32 v54, v55  }
0x68: {  	v37 =	vmax.f32 v58, v59;
	v58 =	vld.idx.msk [tilespmem:v23+s24+$0x0], $0xffff;
	v32 =	vmax.f32 v32, v40  }
0x69: {  	v55 =	vld.idx.msk [tilespmem:v20+s24+$0x0], $0xffff;
	[tilespmem:s21+$0x30] =	vst v32;
	v32 =	vmax.f32 v46, v37  }
0x6a: {  	v45 =	vld.idx.msk [tilespmem:v28+s24+$0x200], $0xffff;
	[tilespmem:s23+$0x80] =	vst v32  }
0x6b: {  	v32 =	vld.idx.msk [tilespmem:v8+s22+$0x200], $0xffff  }
0x6c: {  	v42 =	vmax.f32 v60, v61;
	v40 =	vmax.f32 v62, v63;
	v47 =	vld.idx.msk [tilespmem:v9+s22+$0x200], $0xffff  }
0x6d: {  	v40 =	vmax.f32 v42, v40;
	v48 =	vld.idx.msk [tilespmem:v10+s22+$0x200], $0xffff  }
0x6e: {  	[tilespmem:s23+$0xFFFFFF80] =	vst v40;
	v49 =	vld.idx.msk [tilespmem:v11+s22+$0x200], $0xffff  }
0x6f: {  	v50 =	vld.idx.msk [tilespmem:v8+s22+$0x0], $0xffff  }
0x70: {  	v52 =	vld.idx.msk [tilespmem:v9+s22+$0x0], $0xffff  }
0x71: {  	v53 =	vld.idx.msk [tilespmem:v10+s22+$0x0], $0xffff  }
0x72: {  	v54 =	vld.idx.msk [tilespmem:v11+s22+$0x0], $0xffff  }
0x73: {  	v38 =	vld.idx.msk [tilespmem:v29+s24+$0x200], $0xffff;
	v32 =	vmax.f32 v32, v47;
	v40 =	vmax.f32 v48, v49  }
0x74: {  	v37 =	vld.idx.msk [tilespmem:v30+s24+$0x200], $0xffff;
	v32 =	vmax.f32 v32, v40  }
0x75: {  	v39 =	vld.idx.msk [tilespmem:v31+s24+$0x200], $0xffff;
	[tilespmem:s23+$0x10] =	vst v32  }
0x76: {  	v59 =	vld.idx.msk [tilespmem:v12+s22+$0x200], $0xffff  }
0x77: {  	v35 =	vmax.f32 v50, v52;
	v33 =	vmax.f32 v53, v54;
	v60 =	vld.idx.msk [tilespmem:v13+s22+$0x200], $0xffff  }
0x78: {  	v33 =	vmax.f32 v35, v33;
	v61 =	vld.idx.msk [tilespmem:v14+s22+$0x200], $0xffff  }
0x79: {  	[tilespmem:s23+$0xFFFFFF10] =	vst v33;
	v62 =	vld.idx.msk [tilespmem:v15+s22+$0x200], $0xffff  }
0x7a: {  	v63 =	vld.idx.msk [tilespmem:v12+s22+$0x0], $0xffff  }
0x7b: {  	v36 =	vmax.f32 v55, v56;
	v32 =	vmax.f32 v57, v58;
	v46 =	vld.idx.msk [tilespmem:v13+s22+$0x0], $0xffff  }
0x7c: {  	v47 =	vld.idx.msk [tilespmem:v14+s22+$0x0], $0xffff;
	v32 =	vmax.f32 v36, v32  }
0x7d: {  	v48 =	vld.idx.msk [tilespmem:v15+s22+$0x0], $0xffff;
	[tilespmem:s21+$0xFFFFFFA0] =	vst v32  }
0x7e: {  	v32 =	vld.idx.msk [tilespmem:v24+s24+$0x0], $0xffff  }
0x7f: {  	v49 =	vld.idx.msk [tilespmem:v25+s24+$0x0], $0xffff;
	v34 =	vmax.f32 v59, v60;
	v33 =	vmax.f32 v61, v62  }
0x80: {  	v50 =	vld.idx.msk [tilespmem:v26+s24+$0x0], $0xffff;
	v33 =	vmax.f32 v34, v33  }
0x81: {  	v51 =	vld.idx.msk [tilespmem:v27+s24+$0x0], $0xffff;
	[tilespmem:s23+$0x90] =	vst v33  }
0x82: {  	v52 =	vld.idx.msk [tilespmem:v16+s22+$0x200], $0xffff  }
0x83: {  	v41 =	vmax.f32 v63, v46;
	v36 =	vmax.f32 v47, v48;
	v53 =	vld.idx.msk [tilespmem:v17+s22+$0x200], $0xffff  }
0x84: {  	v36 =	vmax.f32 v41, v36;
	v54 =	vld.idx.msk [tilespmem:v18+s22+$0x200], $0xffff  }
0x85: {  	[tilespmem:s23+$0xFFFFFF90] =	vst v36;
	v55 =	vld.idx.msk [tilespmem:v19+s22+$0x200], $0xffff  }
0x86: {  	v56 =	vld.idx.msk [tilespmem:v16+s22+$0x0], $0xffff  }
0x87: {  	v32 =	vmax.f32 v32, v49;
	v33 =	vmax.f32 v50, v51;
	v57 =	vld.idx.msk [tilespmem:v17+s22+$0x0], $0xffff  }
0x88: {  	v58 =	vld.idx.msk [tilespmem:v18+s22+$0x0], $0xffff;
	v32 =	vmax.f32 v32, v33  }
0x89: {  	v46 =	vld.idx.msk [tilespmem:v19+s22+$0x0], $0xffff;
	[tilespmem:s21+$0xFFFFFF30] =	vst v32  }
0x8a: {  	v47 =	vld.idx.msk [tilespmem:v28+s24+$0x0], $0xffff  }
0x8b: {  	v61 =	vld.idx.msk [tilespmem:v29+s24+$0x0], $0xffff;
	v59 =	vmax.f32 v52, v53;
	v60 =	vmax.f32 v54, v55  }
0x8c: {  	v32 =	vld.idx.msk [tilespmem:v30+s24+$0x0], $0xffff;
	v33 =	vmax.f32 v59, v60  }
0x8d: {  	[tilespmem:s23+$0x20] =	vst v33;
	v33 =	vld.idx.msk [tilespmem:v31+s24+$0x0], $0xffff  }
0x8e: {  	v37 =	vmax.f32 v37, v39;
	v62 =	vmax.f32 v45, v38;
	v35 =	vld.idx.msk [tilespmem:v20+s22+$0x200], $0xffff  }
0x8f: {  	v37 =	vmax.f32 v62, v37;
	v63 =	vmax.f32 v56, v57;
	v34 =	vmax.f32 v58, v46;
	v36 =	vld.idx.msk [tilespmem:v21+s22+$0x200], $0xffff  }
0x90: {  	[tilespmem:s21+$0xB0] =	vst v37;
	v34 =	vmax.f32 v63, v34;
	v37 =	vld.idx.msk [tilespmem:v22+s22+$0x200], $0xffff  }
0x91: {  	s25 =	simm.s32 $0x800;
	s24 =	simm.s32 $0x2;
	[tilespmem:s23+$0xFFFFFF20] =	vst v34;
	v34 =	vmax.f32 v47, v61;
	v38 =	vld.idx.msk [tilespmem:v23+s22+$0x200], $0xffff  }
.LBB2_3:
0x92: {  	v39 =	vld.idx.msk [tilespmem:v0+s25+$0x200], $0xffff  }
0x93: {  	v32 =	vmax.f32 v32, v33;
	v40 =	vld.idx.msk [tilespmem:v1+s25+$0x200], $0xffff  }
0x94: {  	v32 =	vmax.f32 v34, v32;
	v33 =	vld.idx.msk [tilespmem:v2+s25+$0x200], $0xffff  }
0x95: {  	v34 =	vld.idx.msk [tilespmem:v3+s25+$0x200], $0xffff;
	[tilespmem:s21+$0xFFFFFFB0] =	vst v32;
	s21 =	smov.u32 s23  }
0x96: {  	v32 =	vld.idx.msk [tilespmem:v1+s25+$0x0], $0xffff  }
0x97: {  	v35 =	vmax.f32 v35, v36;
	v36 =	vmax.f32 v37, v38;
	v41 =	vld.idx.msk [tilespmem:v2+s25+$0x0], $0xffff  }
0x98: {  	v35 =	vmax.f32 v35, v36;
	v37 =	vld.idx.msk [tilespmem:v3+s25+$0x0], $0xffff  }
0x99: {  	v36 =	vld.idx.msk [tilespmem:v0+s25+$0x0], $0xffff;
	[tilespmem:s23+$0xA0] =	vst v35  }
0x9a: {  	v35 =	vld.idx.msk [tilespmem:v24+s22+$0x200], $0xffff  }
0x9b: {  	v38 =	vmax.f32 v39, v40;
	v33 =	vmax.f32 v33, v34;
	v34 =	vld.idx.msk [tilespmem:v25+s22+$0x200], $0xffff  }
0x9c: {  	s23 =	sadd.s32 $0x200, s23;
	v33 =	vmax.f32 v38, v33;
	v38 =	vld.idx.msk [tilespmem:v26+s22+$0x200], $0xffff  }
0x9d: {  	[tilespmem:s23+$0x0] =	vst v33;
	v33 =	vld.idx.msk [tilespmem:v27+s22+$0x200], $0xffff  }
0x9e: {  	v37 =	vmax.f32 v41, v37;
	v39 =	vld.idx.msk [tilespmem:v4+s25+$0x200], $0xffff  }
0x9f: {  	v32 =	vmax.f32 v36, v32;
	v36 =	vld.idx.msk [tilespmem:v5+s25+$0x200], $0xffff  }
0xa0: {  	v32 =	vmax.f32 v32, v37;
	v37 =	vld.idx.msk [tilespmem:v6+s25+$0x200], $0xffff  }
0xa1: {  	[tilespmem:s23+$0xFFFFFF00] =	vst v32;
	v32 =	vld.idx.msk [tilespmem:v7+s25+$0x200], $0xffff  }
0xa2: {  	v40 =	vld.idx.msk [tilespmem:v4+s25+$0x0], $0xffff  }
0xa3: {  	v34 =	vmax.f32 v35, v34;
	v33 =	vmax.f32 v38, v33;
	v41 =	vld.idx.msk [tilespmem:v5+s25+$0x0], $0xffff  }
0xa4: {  	v33 =	vmax.f32 v34, v33;
	v35 =	vld.idx.msk [tilespmem:v6+s25+$0x0], $0xffff  }
0xa5: {  	v34 =	vld.idx.msk [tilespmem:v7+s25+$0x0], $0xffff;
	[tilespmem:s21+$0x30] =	vst v33  }
0xa6: {  	v33 =	vld.idx.msk [tilespmem:v28+s22+$0x200], $0xffff  }
0xa7: {  	v36 =	vmax.f32 v39, v36;
	v32 =	vmax.f32 v37, v32;
	v37 =	vld.idx.msk [tilespmem:v29+s22+$0x200], $0xffff  }
0xa8: {  	v32 =	vmax.f32 v36, v32;
	v36 =	vld.idx.msk [tilespmem:v30+s22+$0x200], $0xffff  }
0xa9: {  	v38 =	vmax.f32 v40, v41;
	[tilespmem:s23+$0x80] =	vst v32;
	v32 =	vld.idx.msk [tilespmem:v31+s22+$0x200], $0xffff  }
0xaa: {  	s24 =	sadd.s32 $0x2, s24;
	v39 =	vld.idx.msk [tilespmem:v8+s25+$0x200], $0xffff  }
0xab: {  	p1 =	slt.u32 s24, $0x3E;
	v34 =	vmax.f32 v35, v34;
	v35 =	vld.idx.msk [tilespmem:v9+s25+$0x200], $0xffff  }
0xac: {  	v34 =	vmax.f32 v38, v34;
	v38 =	vld.idx.msk [tilespmem:v10+s25+$0x200], $0xffff  }
0xad: {  	[tilespmem:s23+$0xFFFFFF80] =	vst v34;
	v34 =	vld.idx.msk [tilespmem:v11+s25+$0x200], $0xffff  }
0xae: {  	v40 =	vld.idx.msk [tilespmem:v8+s25+$0x0], $0xffff  }
0xaf: {  	v33 =	vmax.f32 v33, v37;
	v32 =	vmax.f32 v36, v32;
	v41 =	vld.idx.msk [tilespmem:v9+s25+$0x0], $0xffff  }
0xb0: {  	v32 =	vmax.f32 v33, v32;
	v36 =	vld.idx.msk [tilespmem:v10+s25+$0x0], $0xffff  }
0xb1: {  	v33 =	vld.idx.msk [tilespmem:v11+s25+$0x0], $0xffff;
	[tilespmem:s21+$0xB0] =	vst v32  }
0xb2: {  	v32 =	vld.idx.msk [tilespmem:v20+s22+$0x0], $0xffff  }
0xb3: {  	v35 =	vmax.f32 v39, v35;
	v34 =	vmax.f32 v38, v34;
	v37 =	vld.idx.msk [tilespmem:v21+s22+$0x0], $0xffff  }
0xb4: {  	v34 =	vmax.f32 v35, v34;
	v35 =	vld.idx.msk [tilespmem:v22+s22+$0x0], $0xffff  }
0xb5: {  	v38 =	vmax.f32 v40, v41;
	[tilespmem:s23+$0x10] =	vst v34;
	v34 =	vld.idx.msk [tilespmem:v23+s22+$0x0], $0xffff  }
0xb6: {  	v39 =	vld.idx.msk [tilespmem:v12+s25+$0x200], $0xffff  }
0xb7: {  	v33 =	vmax.f32 v36, v33;
	v36 =	vld.idx.msk [tilespmem:v13+s25+$0x200], $0xffff  }
0xb8: {  	v33 =	vmax.f32 v38, v33;
	v38 =	vld.idx.msk [tilespmem:v14+s25+$0x200], $0xffff  }
0xb9: {  	v32 =	vmax.f32 v32, v37;
	[tilespmem:s23+$0xFFFFFF10] =	vst v33;
	v33 =	vld.idx.msk [tilespmem:v15+s25+$0x200], $0xffff  }
0xba: {  	v37 =	vld.idx.msk [tilespmem:v12+s25+$0x0], $0xffff  }
0xbb: {  	v34 =	vmax.f32 v35, v34;
	v40 =	vld.idx.msk [tilespmem:v13+s25+$0x0], $0xffff  }
0xbc: {  	v32 =	vmax.f32 v32, v34;
	v35 =	vld.idx.msk [tilespmem:v14+s25+$0x0], $0xffff  }
0xbd: {  	v34 =	vld.idx.msk [tilespmem:v15+s25+$0x0], $0xffff;
	[tilespmem:s21+$0xFFFFFFA0] =	vst v32  }
0xbe: {  	v32 =	vld.idx.msk [tilespmem:v24+s22+$0x0], $0xffff  }
0xbf: {  	v36 =	vmax.f32 v39, v36;
	v33 =	vmax.f32 v38, v33;
	v38 =	vld.idx.msk [tilespmem:v25+s22+$0x0], $0xffff  }
0xc0: {  	v33 =	vmax.f32 v36, v33;
	v36 =	vld.idx.msk [tilespmem:v26+s22+$0x0], $0xffff  }
0xc1: {  	v37 =	vmax.f32 v37, v40;
	[tilespmem:s23+$0x90] =	vst v33;
	v33 =	vld.idx.msk [tilespmem:v27+s22+$0x0], $0xffff  }
0xc2: {  	v39 =	vld.idx.msk [tilespmem:v16+s25+$0x200], $0xffff  }
0xc3: {  	v34 =	vmax.f32 v35, v34;
	v35 =	vld.idx.msk [tilespmem:v17+s25+$0x200], $0xffff  }
0xc4: {  	v34 =	vmax.f32 v37, v34;
	v37 =	vld.idx.msk [tilespmem:v18+s25+$0x200], $0xffff  }
0xc5: {  	v32 =	vmax.f32 v32, v38;
	[tilespmem:s23+$0xFFFFFF90] =	vst v34;
	v34 =	vld.idx.msk [tilespmem:v19+s25+$0x200], $0xffff  }
0xc6: {  	v38 =	vld.idx.msk [tilespmem:v16+s25+$0x0], $0xffff  }
0xc7: {  	v33 =	vmax.f32 v36, v33;
	v40 =	vld.idx.msk [tilespmem:v17+s25+$0x0], $0xffff  }
0xc8: {  	v32 =	vmax.f32 v32, v33;
	v36 =	vld.idx.msk [tilespmem:v18+s25+$0x0], $0xffff  }
0xc9: {  	v41 =	vld.idx.msk [tilespmem:v19+s25+$0x0], $0xffff;
	[tilespmem:s21+$0xFFFFFF30] =	vst v32  }
0xca: {  	v42 =	vld.idx.msk [tilespmem:v28+s22+$0x0], $0xffff  }
0xcb: {  	v32 =	vmax.f32 v39, v35;
	v33 =	vmax.f32 v37, v34;
	v34 =	vld.idx.msk [tilespmem:v29+s22+$0x0], $0xffff  }
0xcc: {  	v33 =	vmax.f32 v32, v33;
	v32 =	vld.idx.msk [tilespmem:v30+s22+$0x0], $0xffff  }
.Ltmp2:
0xcd: {  	v37 =	vmax.f32 v38, v40;
	[tilespmem:s23+$0x20] =	vst v33;
	v33 =	vld.idx.msk [tilespmem:v31+s22+$0x0], $0xffff;
	s22 =	smov.u32 s25;
	(pc) =	sbr.rel @p1 .LBB2_3-.Ltmp2, $4  }
0xce: {  	v35 =	vld.idx.msk [tilespmem:v20+s25+$0x200], $0xffff  }
0xcf: {  	v38 =	vmax.f32 v36, v41;
	v36 =	vld.idx.msk [tilespmem:v21+s25+$0x200], $0xffff  }
0xd0: {  	v38 =	vmax.f32 v37, v38;
	v37 =	vld.idx.msk [tilespmem:v22+s25+$0x200], $0xffff  }
0xd1: {  	s25 =	sadd.s32 $0x400, s25;
	v34 =	vmax.f32 v42, v34;
	[tilespmem:s23+$0xFFFFFF20] =	vst v38;
	v38 =	vld.idx.msk [tilespmem:v23+s22+$0x200], $0xffff  }
0xd2: {  	_ =	sdelay $0x3  }
0xd3: {  	v39 =	vld.idx.msk [tilespmem:v20+s22+$0x0], $0xffff  }
0xd4: {  	v40 =	vld.idx.msk [tilespmem:v21+s22+$0x0], $0xffff  }
0xd5: {  	v41 =	vld.idx.msk [tilespmem:v22+s22+$0x0], $0xffff  }
0xd6: {  	v42 =	vld.idx.msk [tilespmem:v23+s22+$0x0], $0xffff  }
0xd7: {  	v35 =	vmax.f32 v35, v36;
	v62 =	vmax.f32 v37, v38  }
0xd8: {  	v35 =	vmax.f32 v35, v62  }
0xd9: {  	[tilespmem:s23+$0xA0] =	vst v35  }
0xda: {  	v35 =	vld.idx.msk [tilespmem:v24+s22+$0x200], $0xffff  }
0xdb: {  	v43 =	vmax.f32 v39, v40;
	v44 =	vmax.f32 v41, v42;
	v63 =	vld.idx.msk [tilespmem:v25+s22+$0x200], $0xffff  }
0xdc: {  	v37 =	vmax.f32 v43, v44;
	v45 =	vld.idx.msk [tilespmem:v26+s22+$0x200], $0xffff  }
0xdd: {  	v46 =	vld.idx.msk [tilespmem:v27+s22+$0x200], $0xffff;
	[tilespmem:s23+$0xFFFFFFA0] =	vst v37  }
0xde: {  	v37 =	vld.idx.msk [tilespmem:v24+s22+$0x0], $0xffff  }
0xdf: {  	v47 =	vld.idx.msk [tilespmem:v25+s22+$0x0], $0xffff  }
0xe0: {  	v48 =	vld.idx.msk [tilespmem:v26+s22+$0x0], $0xffff  }
0xe1: {  	v49 =	vld.idx.msk [tilespmem:v27+s22+$0x0], $0xffff  }
0xe2: {  	v35 =	vmax.f32 v35, v63;
	v50 =	vmax.f32 v45, v46  }
0xe3: {  	v35 =	vmax.f32 v35, v50  }
0xe4: {  	[tilespmem:s23+$0x30] =	vst v35  }
0xe5: {  	v35 =	vld.idx.msk [tilespmem:v28+s22+$0x200], $0xffff  }
0xe6: {  	v37 =	vmax.f32 v37, v47;
	v52 =	vmax.f32 v48, v49;
	v51 =	vld.idx.msk [tilespmem:v29+s22+$0x200], $0xffff  }
0xe7: {  	v37 =	vmax.f32 v37, v52;
	v53 =	vld.idx.msk [tilespmem:v30+s22+$0x200], $0xffff  }
0xe8: {  	v54 =	vld.idx.msk [tilespmem:v31+s22+$0x200], $0xffff;
	[tilespmem:s23+$0xFFFFFF30] =	vst v37  }
0xe9: {  	v37 =	vld.idx.msk [tilespmem:v28+s22+$0x0], $0xffff  }
0xea: {  	v55 =	vld.idx.msk [tilespmem:v29+s22+$0x0], $0xffff  }
0xeb: {  	v56 =	vld.idx.msk [tilespmem:v30+s22+$0x0], $0xffff  }
0xec: {  	v57 =	vld.idx.msk [tilespmem:v31+s22+$0x0], $0xffff;
	_ =	sdelay $0x2  }
0xed: {  	v32 =	vmax.f32 v32, v33;
	p1 =	sne.s32 s20, $0x17  }
.Ltmp3:
0xee: {  	v32 =	vmax.f32 v34, v32;
	v58 =	vmax.f32 v35, v51;
	v59 =	vmax.f32 v53, v54;
	(pc) =	sbr.rel @p1 .LBB2_6-.Ltmp3, $4  }
0xef: {  	s30 =	sadd.s32 s6, s20;
	[tilespmem:s21+$0xFFFFFFB0] =	vst v32;
	v60 =	vmax.f32 v58, v59;
	v61 =	vmax.f32 v37, v55;
	v62 =	vmax.f32 v56, v57  }
0xf0: {  	s21 =	sshll.u32 s30, $0xC;
	[tilespmem:s23+$0xB0] =	vst v60;
	v63 =	vmax.f32 v61, v62  }
0xf1: {  	s31 =	sadd.s32 s4, s21;
	[tilespmem:s23+$0xFFFFFFB0] =	vst v63  }
0xf2: {  	[hbm4b:s31+s3] =	stream.linear.scatter [tilespmem:s14], [sflag:$0x3], $0x4000, $0x38;
	[tilespmem:$0x18000] =	vst v63  }
.Ltmp4:
0xf3: {  	(pc) =	sbr.rel .LBB2_7-.Ltmp4, $4  }
0xf4: {  	_ = 	snop  }
0xf5: {  	_ =	swait.ge [sflag:s15], $0x8000  }
0xf6: {  	[sflag:s15] =	ssyncset.done $0x0  }
0xf7: {  	[sflag:s15] =	ssyncadd.s32 $0xFFFF8000  }
.LBB2_6:
0xf8: {  	s22 =	sshll.u32 s20, $0x10  }
0xf9: {  	s22 =	sadd.s32 s22, s8  }
0xfa: {  	s22 =	sshrl.u32 s22, $0x3  }
.Ltmp5:
0xfb: {  	s22 =	sadd.s32 s1, s22;
	(pc) =	sbr.rel @p0 .LBB2_8-.Ltmp5, $4  }
0xfc: {  	[tilespmem:s3], [sflag:$0x1] =	stream.linear.gather [hbm4b:s22+s3], $0x8000, $0x38;
	[tilespmem:$0x18000] =	vst v63  }
0xfd: {  	_ =	swait.ge [sflag:s15], $0x8000  }
0xfe: {  	[sflag:s15] =	ssyncset.done $0x0  }
0xff: {  	[sflag:s15] =	ssyncadd.s32 $0xFFFF8000  }
.LBB2_7:
0x100: {  	_ =	swait.ge [sflag:s16], $0x4000  }
0x101: {  	[sflag:s16] =	ssyncset.done $0x0  }
0x102: {  	[sflag:s16] =	ssyncadd.s32 $0xFFFFC000  }
.LBB2_8:
0x103: {  	_ =	sdelay $0x2  }
0x104: {  	s25 =	simm.s32 $0x8000  }
0x105: {  	v32 =	vld.idx.msk [tilespmem:v0+s25+$0x200], $0xffff  }
0x106: {  	v33 =	vld.idx.msk [tilespmem:v1+s25+$0x200], $0xffff  }
0x107: {  	v34 =	vld.idx.msk [tilespmem:v2+s25+$0x200], $0xffff  }
0x108: {  	v35 =	vld.idx.msk [tilespmem:v3+s25+$0x200], $0xffff;
	_ =	sdelay $0x3  }
0x109: {  	v36 =	vld.idx.msk [tilespmem:v1+s25+$0x0], $0xffff  }
0x10a: {  	v37 =	vld.idx.msk [tilespmem:v2+s25+$0x0], $0xffff;
	v32 =	vmax.f32 v32, v33;
	v55 =	vmax.f32 v34, v35  }
0x10b: {  	s22 =	simm.s32 $0x14100;
	v56 =	vld.idx.msk [tilespmem:v3+s25+$0x0], $0xffff;
	v32 =	vmax.f32 v32, v55  }
0x10c: {  	v57 =	vld.idx.msk [tilespmem:v0+s25+$0x0], $0xffff;
	[tilespmem:s22+$0x0] =	vst v32  }
0x10d: {  	v32 =	vld.idx.msk [tilespmem:v4+s25+$0x200], $0xffff  }
0x10e: {  	v58 =	vld.idx.msk [tilespmem:v5+s25+$0x200], $0xffff  }
0x10f: {  	v38 =	vld.idx.msk [tilespmem:v6+s25+$0x200], $0xffff  }
0x110: {  	v39 =	vld.idx.msk [tilespmem:v7+s25+$0x200], $0xffff  }
0x111: {  	v34 =	vmax.f32 v37, v56;
	v33 =	vmax.f32 v57, v36  }
0x112: {  	v33 =	vmax.f32 v33, v34  }
0x113: {  	[tilespmem:s22+$0xFFFFFF00] =	vst v33  }
0x114: {  	v33 =	vld.idx.msk [tilespmem:v4+s25+$0x0], $0xffff  }
0x115: {  	v59 =	vld.idx.msk [tilespmem:v5+s25+$0x0], $0xffff;
	v32 =	vmax.f32 v32, v58;
	v60 =	vmax.f32 v38, v39  }
0x116: {  	v61 =	vld.idx.msk [tilespmem:v6+s25+$0x0], $0xffff;
	v32 =	vmax.f32 v32, v60  }
0x117: {  	v62 =	vld.idx.msk [tilespmem:v7+s25+$0x0], $0xffff;
	[tilespmem:s22+$0x80] =	vst v32  }
0x118: {  	v32 =	vld.idx.msk [tilespmem:v8+s25+$0x200], $0xffff  }
0x119: {  	v63 =	vld.idx.msk [tilespmem:v9+s25+$0x200], $0xffff  }
0x11a: {  	v42 =	vld.idx.msk [tilespmem:v10+s25+$0x200], $0xffff  }
0x11b: {  	v43 =	vld.idx.msk [tilespmem:v11+s25+$0x200], $0xffff  }
0x11c: {  	v33 =	vmax.f32 v33, v59;
	v44 =	vmax.f32 v61, v62  }
0x11d: {  	v33 =	vmax.f32 v33, v44  }
0x11e: {  	[tilespmem:s22+$0xFFFFFF80] =	vst v33  }
0x11f: {  	v33 =	vld.idx.msk [tilespmem:v8+s25+$0x0], $0xffff  }
0x120: {  	v45 =	vld.idx.msk [tilespmem:v9+s25+$0x0], $0xffff;
	v32 =	vmax.f32 v32, v63;
	v46 =	vmax.f32 v42, v43  }
0x121: {  	v47 =	vld.idx.msk [tilespmem:v10+s25+$0x0], $0xffff;
	v32 =	vmax.f32 v32, v46  }
0x122: {  	v48 =	vld.idx.msk [tilespmem:v11+s25+$0x0], $0xffff;
	[tilespmem:s22+$0x10] =	vst v32  }
0x123: {  	v32 =	vld.idx.msk [tilespmem:v12+s25+$0x200], $0xffff  }
0x124: {  	v49 =	vld.idx.msk [tilespmem:v13+s25+$0x200], $0xffff  }
0x125: {  	v50 =	vld.idx.msk [tilespmem:v14+s25+$0x200], $0xffff  }
0x126: {  	v51 =	vld.idx.msk [tilespmem:v15+s25+$0x200], $0xffff  }
0x127: {  	s23 =	simm.s32 $0x8400  }
0x128: {  	v40 =	vld.idx.msk [tilespmem:v0+s23+$0x200], $0xffff  }
0x129: {  	v41 =	vld.idx.msk [tilespmem:v1+s23+$0x200], $0xffff  }
0x12a: {  	v44 =	vld.idx.msk [tilespmem:v1+s23+$0x0], $0xffff;
	v33 =	vmax.f32 v33, v45;
	v52 =	vmax.f32 v47, v48  }
0x12b: {  	v42 =	vld.idx.msk [tilespmem:v2+s23+$0x200], $0xffff;
	v33 =	vmax.f32 v33, v52;
	v32 =	vmax.f32 v32, v49;
	v54 =	vmax.f32 v50, v51  }
0x12c: {  	v43 =	vld.idx.msk [tilespmem:v3+s23+$0x200], $0xffff;
	[tilespmem:s22+$0xFFFFFF10] =	vst v33;
	v32 =	vmax.f32 v32, v54  }
0x12d: {  	v33 =	vld.idx.msk [tilespmem:v12+s25+$0x0], $0xffff;
	[tilespmem:s22+$0x90] =	vst v32  }
0x12e: {  	v32 =	vld.idx.msk [tilespmem:v16+s25+$0x200], $0xffff  }
0x12f: {  	v57 =	vld.idx.msk [tilespmem:v17+s25+$0x200], $0xffff  }
0x130: {  	v58 =	vld.idx.msk [tilespmem:v18+s25+$0x200], $0xffff  }
0x131: {  	v59 =	vld.idx.msk [tilespmem:v19+s25+$0x200], $0xffff  }
0x132: {  	v55 =	vld.idx.msk [tilespmem:v14+s25+$0x0], $0xffff  }
0x133: {  	v56 =	vld.idx.msk [tilespmem:v15+s25+$0x0], $0xffff  }
0x134: {  	v53 =	vld.idx.msk [tilespmem:v13+s25+$0x0], $0xffff  }
0x135: {  	v40 =	vmax.f32 v40, v41;
	v52 =	vmax.f32 v42, v43;
	v49 =	vld.idx.msk [tilespmem:v2+s23+$0x0], $0xffff  }
0x136: {  	s24 =	simm.s32 $0x14300;
	v40 =	vmax.f32 v40, v52;
	v50 =	vld.idx.msk [tilespmem:v3+s23+$0x0], $0xffff;
	v32 =	vmax.f32 v32, v57;
	v61 =	vmax.f32 v58, v59  }
0x137: {  	[tilespmem:s24+$0x0] =	vst v40;
	v51 =	vld.idx.msk [tilespmem:v0+s23+$0x0], $0xffff;
	v32 =	vmax.f32 v32, v61  }
0x138: {  	v60 =	vmax.f32 v55, v56;
	v56 =	vld.idx.msk [tilespmem:v4+s23+$0x200], $0xffff;
	[tilespmem:s22+$0x20] =	vst v32  }
0x139: {  	v32 =	vld.idx.msk [tilespmem:v20+s25+$0x200], $0xffff  }
0x13a: {  	v33 =	vmax.f32 v33, v53;
	v62 =	vld.idx.msk [tilespmem:v21+s25+$0x200], $0xffff  }
0x13b: {  	v33 =	vmax.f32 v33, v60;
	v63 =	vld.idx.msk [tilespmem:v22+s25+$0x200], $0xffff  }
0x13c: {  	[tilespmem:s22+$0xFFFFFF90] =	vst v33;
	v48 =	vld.idx.msk [tilespmem:v23+s25+$0x200], $0xffff  }
0x13d: {  	v33 =	vld.idx.msk [tilespmem:v16+s25+$0x0], $0xffff  }
0x13e: {  	v34 =	vld.idx.msk [tilespmem:v17+s25+$0x0], $0xffff  }
0x13f: {  	v36 =	vld.idx.msk [tilespmem:v18+s25+$0x0], $0xffff  }
0x140: {  	v35 =	vld.idx.msk [tilespmem:v19+s25+$0x0], $0xffff  }
0x141: {  	v57 =	vld.idx.msk [tilespmem:v5+s23+$0x200], $0xffff;
	v32 =	vmax.f32 v32, v62;
	v38 =	vmax.f32 v63, v48  }
0x142: {  	v58 =	vld.idx.msk [tilespmem:v6+s23+$0x200], $0xffff;
	v32 =	vmax.f32 v32, v38  }
0x143: {  	v59 =	vld.idx.msk [tilespmem:v7+s23+$0x200], $0xffff;
	[tilespmem:s22+$0xA0] =	vst v32  }
0x144: {  	v32 =	vld.idx.msk [tilespmem:v24+s25+$0x200], $0xffff  }
0x145: {  	v37 =	vmax.f32 v49, v50;
	v38 =	vmax.f32 v51, v44;
	v53 =	vld.idx.msk [tilespmem:v25+s25+$0x200], $0xffff  }
0x146: {  	v37 =	vmax.f32 v38, v37;
	v54 =	vld.idx.msk [tilespmem:v26+s25+$0x200], $0xffff  }
0x147: {  	v55 =	vld.idx.msk [tilespmem:v27+s25+$0x200], $0xffff;
	[tilespmem:s24+$0xFFFFFF00] =	vst v37  }
0x148: {  	v60 =	vld.idx.msk [tilespmem:v4+s23+$0x0], $0xffff  }
0x149: {  	v33 =	vmax.f32 v33, v34;
	v51 =	vmax.f32 v36, v35;
	v61 =	vld.idx.msk [tilespmem:v5+s23+$0x0], $0xffff  }
0x14a: {  	v33 =	vmax.f32 v33, v51;
	v62 =	vld.idx.msk [tilespmem:v6+s23+$0x0], $0xffff  }
0x14b: {  	[tilespmem:s22+$0xFFFFFF20] =	vst v33;
	v63 =	vld.idx.msk [tilespmem:v7+s23+$0x0], $0xffff  }
0x14c: {  	v46 =	vmax.f32 v56, v57;
	v56 =	vld.idx.msk [tilespmem:v21+s25+$0x0], $0xffff  }
0x14d: {  	v57 =	vld.idx.msk [tilespmem:v22+s25+$0x0], $0xffff;
	v32 =	vmax.f32 v32, v53;
	v40 =	vmax.f32 v54, v55  }
0x14e: {  	v37 =	vmax.f32 v58, v59;
	v58 =	vld.idx.msk [tilespmem:v23+s25+$0x0], $0xffff;
	v32 =	vmax.f32 v32, v40  }
0x14f: {  	v55 =	vld.idx.msk [tilespmem:v20+s25+$0x0], $0xffff;
	[tilespmem:s22+$0x30] =	vst v32;
	v32 =	vmax.f32 v46, v37  }
0x150: {  	v45 =	vld.idx.msk [tilespmem:v28+s25+$0x200], $0xffff;
	[tilespmem:s24+$0x80] =	vst v32  }
0x151: {  	v32 =	vld.idx.msk [tilespmem:v8+s23+$0x200], $0xffff  }
0x152: {  	v42 =	vmax.f32 v60, v61;
	v40 =	vmax.f32 v62, v63;
	v47 =	vld.idx.msk [tilespmem:v9+s23+$0x200], $0xffff  }
0x153: {  	v40 =	vmax.f32 v42, v40;
	v48 =	vld.idx.msk [tilespmem:v10+s23+$0x200], $0xffff  }
0x154: {  	[tilespmem:s24+$0xFFFFFF80] =	vst v40;
	v49 =	vld.idx.msk [tilespmem:v11+s23+$0x200], $0xffff  }
0x155: {  	v50 =	vld.idx.msk [tilespmem:v8+s23+$0x0], $0xffff  }
0x156: {  	v52 =	vld.idx.msk [tilespmem:v9+s23+$0x0], $0xffff  }
0x157: {  	v53 =	vld.idx.msk [tilespmem:v10+s23+$0x0], $0xffff  }
0x158: {  	v54 =	vld.idx.msk [tilespmem:v11+s23+$0x0], $0xffff  }
0x159: {  	v38 =	vld.idx.msk [tilespmem:v29+s25+$0x200], $0xffff;
	v32 =	vmax.f32 v32, v47;
	v40 =	vmax.f32 v48, v49  }
0x15a: {  	v37 =	vld.idx.msk [tilespmem:v30+s25+$0x200], $0xffff;
	v32 =	vmax.f32 v32, v40  }
0x15b: {  	v39 =	vld.idx.msk [tilespmem:v31+s25+$0x200], $0xffff;
	[tilespmem:s24+$0x10] =	vst v32  }
0x15c: {  	v59 =	vld.idx.msk [tilespmem:v12+s23+$0x200], $0xffff  }
0x15d: {  	v35 =	vmax.f32 v50, v52;
	v33 =	vmax.f32 v53, v54;
	v60 =	vld.idx.msk [tilespmem:v13+s23+$0x200], $0xffff  }
0x15e: {  	v33 =	vmax.f32 v35, v33;
	v61 =	vld.idx.msk [tilespmem:v14+s23+$0x200], $0xffff  }
0x15f: {  	[tilespmem:s24+$0xFFFFFF10] =	vst v33;
	v62 =	vld.idx.msk [tilespmem:v15+s23+$0x200], $0xffff  }
0x160: {  	v63 =	vld.idx.msk [tilespmem:v12+s23+$0x0], $0xffff  }
0x161: {  	v36 =	vmax.f32 v55, v56;
	v32 =	vmax.f32 v57, v58;
	v46 =	vld.idx.msk [tilespmem:v13+s23+$0x0], $0xffff  }
0x162: {  	v47 =	vld.idx.msk [tilespmem:v14+s23+$0x0], $0xffff;
	v32 =	vmax.f32 v36, v32  }
0x163: {  	v48 =	vld.idx.msk [tilespmem:v15+s23+$0x0], $0xffff;
	[tilespmem:s22+$0xFFFFFFA0] =	vst v32  }
0x164: {  	v32 =	vld.idx.msk [tilespmem:v24+s25+$0x0], $0xffff  }
0x165: {  	v49 =	vld.idx.msk [tilespmem:v25+s25+$0x0], $0xffff;
	v34 =	vmax.f32 v59, v60;
	v33 =	vmax.f32 v61, v62  }
0x166: {  	v50 =	vld.idx.msk [tilespmem:v26+s25+$0x0], $0xffff;
	v33 =	vmax.f32 v34, v33  }
0x167: {  	v51 =	vld.idx.msk [tilespmem:v27+s25+$0x0], $0xffff;
	[tilespmem:s24+$0x90] =	vst v33  }
0x168: {  	v52 =	vld.idx.msk [tilespmem:v16+s23+$0x200], $0xffff  }
0x169: {  	v41 =	vmax.f32 v63, v46;
	v36 =	vmax.f32 v47, v48;
	v53 =	vld.idx.msk [tilespmem:v17+s23+$0x200], $0xffff  }
0x16a: {  	v36 =	vmax.f32 v41, v36;
	v54 =	vld.idx.msk [tilespmem:v18+s23+$0x200], $0xffff  }
0x16b: {  	[tilespmem:s24+$0xFFFFFF90] =	vst v36;
	v55 =	vld.idx.msk [tilespmem:v19+s23+$0x200], $0xffff  }
0x16c: {  	v56 =	vld.idx.msk [tilespmem:v16+s23+$0x0], $0xffff  }
0x16d: {  	v32 =	vmax.f32 v32, v49;
	v33 =	vmax.f32 v50, v51;
	v57 =	vld.idx.msk [tilespmem:v17+s23+$0x0], $0xffff  }
0x16e: {  	v58 =	vld.idx.msk [tilespmem:v18+s23+$0x0], $0xffff;
	v32 =	vmax.f32 v32, v33  }
0x16f: {  	v46 =	vld.idx.msk [tilespmem:v19+s23+$0x0], $0xffff;
	[tilespmem:s22+$0xFFFFFF30] =	vst v32  }
0x170: {  	v47 =	vld.idx.msk [tilespmem:v28+s25+$0x0], $0xffff  }
0x171: {  	v61 =	vld.idx.msk [tilespmem:v29+s25+$0x0], $0xffff;
	v59 =	vmax.f32 v52, v53;
	v60 =	vmax.f32 v54, v55  }
0x172: {  	v32 =	vld.idx.msk [tilespmem:v30+s25+$0x0], $0xffff;
	v33 =	vmax.f32 v59, v60  }
0x173: {  	[tilespmem:s24+$0x20] =	vst v33;
	v33 =	vld.idx.msk [tilespmem:v31+s25+$0x0], $0xffff  }
0x174: {  	v37 =	vmax.f32 v37, v39;
	v62 =	vmax.f32 v45, v38;
	v35 =	vld.idx.msk [tilespmem:v20+s23+$0x200], $0xffff  }
0x175: {  	v37 =	vmax.f32 v62, v37;
	v63 =	vmax.f32 v56, v57;
	v34 =	vmax.f32 v58, v46;
	v36 =	vld.idx.msk [tilespmem:v21+s23+$0x200], $0xffff  }
0x176: {  	[tilespmem:s22+$0xB0] =	vst v37;
	v34 =	vmax.f32 v63, v34;
	v37 =	vld.idx.msk [tilespmem:v22+s23+$0x200], $0xffff  }
0x177: {  	s26 =	simm.s32 $0x8800;
	s25 =	simm.s32 $0x2;
	[tilespmem:s24+$0xFFFFFF20] =	vst v34;
	v34 =	vmax.f32 v47, v61;
	v38 =	vld.idx.msk [tilespmem:v23+s23+$0x200], $0xffff  }
.LBB2_9:
0x178: {  	v39 =	vld.idx.msk [tilespmem:v0+s26+$0x200], $0xffff  }
0x179: {  	v32 =	vmax.f32 v32, v33;
	v40 =	vld.idx.msk [tilespmem:v1+s26+$0x200], $0xffff  }
0x17a: {  	v32 =	vmax.f32 v34, v32;
	v33 =	vld.idx.msk [tilespmem:v2+s26+$0x200], $0xffff  }
0x17b: {  	v34 =	vld.idx.msk [tilespmem:v3+s26+$0x200], $0xffff;
	[tilespmem:s22+$0xFFFFFFB0] =	vst v32;
	s22 =	smov.u32 s24  }
0x17c: {  	v32 =	vld.idx.msk [tilespmem:v1+s26+$0x0], $0xffff  }
0x17d: {  	v35 =	vmax.f32 v35, v36;
	v36 =	vmax.f32 v37, v38;
	v41 =	vld.idx.msk [tilespmem:v2+s26+$0x0], $0xffff  }
0x17e: {  	v35 =	vmax.f32 v35, v36;
	v37 =	vld.idx.msk [tilespmem:v3+s26+$0x0], $0xffff  }
0x17f: {  	v36 =	vld.idx.msk [tilespmem:v0+s26+$0x0], $0xffff;
	[tilespmem:s24+$0xA0] =	vst v35  }
0x180: {  	v35 =	vld.idx.msk [tilespmem:v24+s23+$0x200], $0xffff  }
0x181: {  	v38 =	vmax.f32 v39, v40;
	v33 =	vmax.f32 v33, v34;
	v34 =	vld.idx.msk [tilespmem:v25+s23+$0x200], $0xffff  }
0x182: {  	s24 =	sadd.s32 $0x200, s24;
	v33 =	vmax.f32 v38, v33;
	v38 =	vld.idx.msk [tilespmem:v26+s23+$0x200], $0xffff  }
0x183: {  	[tilespmem:s24+$0x0] =	vst v33;
	v33 =	vld.idx.msk [tilespmem:v27+s23+$0x200], $0xffff  }
0x184: {  	v37 =	vmax.f32 v41, v37;
	v39 =	vld.idx.msk [tilespmem:v4+s26+$0x200], $0xffff  }
0x185: {  	v32 =	vmax.f32 v36, v32;
	v36 =	vld.idx.msk [tilespmem:v5+s26+$0x200], $0xffff  }
0x186: {  	v32 =	vmax.f32 v32, v37;
	v37 =	vld.idx.msk [tilespmem:v6+s26+$0x200], $0xffff  }
0x187: {  	[tilespmem:s24+$0xFFFFFF00] =	vst v32;
	v32 =	vld.idx.msk [tilespmem:v7+s26+$0x200], $0xffff  }
0x188: {  	v40 =	vld.idx.msk [tilespmem:v4+s26+$0x0], $0xffff  }
0x189: {  	v34 =	vmax.f32 v35, v34;
	v33 =	vmax.f32 v38, v33;
	v41 =	vld.idx.msk [tilespmem:v5+s26+$0x0], $0xffff  }
0x18a: {  	v33 =	vmax.f32 v34, v33;
	v35 =	vld.idx.msk [tilespmem:v6+s26+$0x0], $0xffff  }
0x18b: {  	v34 =	vld.idx.msk [tilespmem:v7+s26+$0x0], $0xffff;
	[tilespmem:s22+$0x30] =	vst v33  }
0x18c: {  	v33 =	vld.idx.msk [tilespmem:v28+s23+$0x200], $0xffff  }
0x18d: {  	v36 =	vmax.f32 v39, v36;
	v32 =	vmax.f32 v37, v32;
	v37 =	vld.idx.msk [tilespmem:v29+s23+$0x200], $0xffff  }
0x18e: {  	v32 =	vmax.f32 v36, v32;
	v36 =	vld.idx.msk [tilespmem:v30+s23+$0x200], $0xffff  }
0x18f: {  	v38 =	vmax.f32 v40, v41;
	[tilespmem:s24+$0x80] =	vst v32;
	v32 =	vld.idx.msk [tilespmem:v31+s23+$0x200], $0xffff  }
0x190: {  	s25 =	sadd.s32 $0x2, s25;
	v39 =	vld.idx.msk [tilespmem:v8+s26+$0x200], $0xffff  }
0x191: {  	p0 =	slt.u32 s25, $0x3E;
	v34 =	vmax.f32 v35, v34;
	v35 =	vld.idx.msk [tilespmem:v9+s26+$0x200], $0xffff  }
0x192: {  	v34 =	vmax.f32 v38, v34;
	v38 =	vld.idx.msk [tilespmem:v10+s26+$0x200], $0xffff  }
0x193: {  	[tilespmem:s24+$0xFFFFFF80] =	vst v34;
	v34 =	vld.idx.msk [tilespmem:v11+s26+$0x200], $0xffff  }
0x194: {  	v40 =	vld.idx.msk [tilespmem:v8+s26+$0x0], $0xffff  }
0x195: {  	v33 =	vmax.f32 v33, v37;
	v32 =	vmax.f32 v36, v32;
	v41 =	vld.idx.msk [tilespmem:v9+s26+$0x0], $0xffff  }
0x196: {  	v32 =	vmax.f32 v33, v32;
	v36 =	vld.idx.msk [tilespmem:v10+s26+$0x0], $0xffff  }
0x197: {  	v33 =	vld.idx.msk [tilespmem:v11+s26+$0x0], $0xffff;
	[tilespmem:s22+$0xB0] =	vst v32  }
0x198: {  	v32 =	vld.idx.msk [tilespmem:v20+s23+$0x0], $0xffff  }
0x199: {  	v35 =	vmax.f32 v39, v35;
	v34 =	vmax.f32 v38, v34;
	v37 =	vld.idx.msk [tilespmem:v21+s23+$0x0], $0xffff  }
0x19a: {  	v34 =	vmax.f32 v35, v34;
	v35 =	vld.idx.msk [tilespmem:v22+s23+$0x0], $0xffff  }
0x19b: {  	v38 =	vmax.f32 v40, v41;
	[tilespmem:s24+$0x10] =	vst v34;
	v34 =	vld.idx.msk [tilespmem:v23+s23+$0x0], $0xffff  }
0x19c: {  	v39 =	vld.idx.msk [tilespmem:v12+s26+$0x200], $0xffff  }
0x19d: {  	v33 =	vmax.f32 v36, v33;
	v36 =	vld.idx.msk [tilespmem:v13+s26+$0x200], $0xffff  }
0x19e: {  	v33 =	vmax.f32 v38, v33;
	v38 =	vld.idx.msk [tilespmem:v14+s26+$0x200], $0xffff  }
0x19f: {  	v32 =	vmax.f32 v32, v37;
	[tilespmem:s24+$0xFFFFFF10] =	vst v33;
	v33 =	vld.idx.msk [tilespmem:v15+s26+$0x200], $0xffff  }
0x1a0: {  	v37 =	vld.idx.msk [tilespmem:v12+s26+$0x0], $0xffff  }
0x1a1: {  	v34 =	vmax.f32 v35, v34;
	v40 =	vld.idx.msk [tilespmem:v13+s26+$0x0], $0xffff  }
0x1a2: {  	v32 =	vmax.f32 v32, v34;
	v35 =	vld.idx.msk [tilespmem:v14+s26+$0x0], $0xffff  }
0x1a3: {  	v34 =	vld.idx.msk [tilespmem:v15+s26+$0x0], $0xffff;
	[tilespmem:s22+$0xFFFFFFA0] =	vst v32  }
0x1a4: {  	v32 =	vld.idx.msk [tilespmem:v24+s23+$0x0], $0xffff  }
0x1a5: {  	v36 =	vmax.f32 v39, v36;
	v33 =	vmax.f32 v38, v33;
	v38 =	vld.idx.msk [tilespmem:v25+s23+$0x0], $0xffff  }
0x1a6: {  	v33 =	vmax.f32 v36, v33;
	v36 =	vld.idx.msk [tilespmem:v26+s23+$0x0], $0xffff  }
0x1a7: {  	v37 =	vmax.f32 v37, v40;
	[tilespmem:s24+$0x90] =	vst v33;
	v33 =	vld.idx.msk [tilespmem:v27+s23+$0x0], $0xffff  }
0x1a8: {  	v39 =	vld.idx.msk [tilespmem:v16+s26+$0x200], $0xffff  }
0x1a9: {  	v34 =	vmax.f32 v35, v34;
	v35 =	vld.idx.msk [tilespmem:v17+s26+$0x200], $0xffff  }
0x1aa: {  	v34 =	vmax.f32 v37, v34;
	v37 =	vld.idx.msk [tilespmem:v18+s26+$0x200], $0xffff  }
0x1ab: {  	v32 =	vmax.f32 v32, v38;
	[tilespmem:s24+$0xFFFFFF90] =	vst v34;
	v34 =	vld.idx.msk [tilespmem:v19+s26+$0x200], $0xffff  }
0x1ac: {  	v38 =	vld.idx.msk [tilespmem:v16+s26+$0x0], $0xffff  }
0x1ad: {  	v33 =	vmax.f32 v36, v33;
	v40 =	vld.idx.msk [tilespmem:v17+s26+$0x0], $0xffff  }
0x1ae: {  	v32 =	vmax.f32 v32, v33;
	v36 =	vld.idx.msk [tilespmem:v18+s26+$0x0], $0xffff  }
0x1af: {  	v41 =	vld.idx.msk [tilespmem:v19+s26+$0x0], $0xffff;
	[tilespmem:s22+$0xFFFFFF30] =	vst v32  }
0x1b0: {  	v42 =	vld.idx.msk [tilespmem:v28+s23+$0x0], $0xffff  }
0x1b1: {  	v32 =	vmax.f32 v39, v35;
	v33 =	vmax.f32 v37, v34;
	v34 =	vld.idx.msk [tilespmem:v29+s23+$0x0], $0xffff  }
0x1b2: {  	v33 =	vmax.f32 v32, v33;
	v32 =	vld.idx.msk [tilespmem:v30+s23+$0x0], $0xffff  }
.Ltmp6:
0x1b3: {  	v37 =	vmax.f32 v38, v40;
	[tilespmem:s24+$0x20] =	vst v33;
	v33 =	vld.idx.msk [tilespmem:v31+s23+$0x0], $0xffff;
	s23 =	smov.u32 s26;
	(pc) =	sbr.rel @p0 .LBB2_9-.Ltmp6, $4  }
0x1b4: {  	v35 =	vld.idx.msk [tilespmem:v20+s26+$0x200], $0xffff  }
0x1b5: {  	v38 =	vmax.f32 v36, v41;
	v36 =	vld.idx.msk [tilespmem:v21+s26+$0x200], $0xffff  }
0x1b6: {  	v38 =	vmax.f32 v37, v38;
	v37 =	vld.idx.msk [tilespmem:v22+s26+$0x200], $0xffff  }
0x1b7: {  	s26 =	sadd.s32 $0x400, s26;
	v34 =	vmax.f32 v42, v34;
	[tilespmem:s24+$0xFFFFFF20] =	vst v38;
	v38 =	vld.idx.msk [tilespmem:v23+s23+$0x200], $0xffff  }
0x1b8: {  	_ =	sdelay $0x3  }
0x1b9: {  	v39 =	vld.idx.msk [tilespmem:v20+s23+$0x0], $0xffff  }
0x1ba: {  	v40 =	vld.idx.msk [tilespmem:v21+s23+$0x0], $0xffff  }
0x1bb: {  	v41 =	vld.idx.msk [tilespmem:v22+s23+$0x0], $0xffff  }
0x1bc: {  	v42 =	vld.idx.msk [tilespmem:v23+s23+$0x0], $0xffff  }
0x1bd: {  	v35 =	vmax.f32 v35, v36;
	v62 =	vmax.f32 v37, v38  }
0x1be: {  	v35 =	vmax.f32 v35, v62  }
0x1bf: {  	[tilespmem:s24+$0xA0] =	vst v35  }
0x1c0: {  	v35 =	vld.idx.msk [tilespmem:v24+s23+$0x200], $0xffff  }
0x1c1: {  	v43 =	vmax.f32 v39, v40;
	v44 =	vmax.f32 v41, v42;
	v63 =	vld.idx.msk [tilespmem:v25+s23+$0x200], $0xffff  }
0x1c2: {  	v37 =	vmax.f32 v43, v44;
	v45 =	vld.idx.msk [tilespmem:v26+s23+$0x200], $0xffff  }
0x1c3: {  	v46 =	vld.idx.msk [tilespmem:v27+s23+$0x200], $0xffff;
	[tilespmem:s24+$0xFFFFFFA0] =	vst v37  }
0x1c4: {  	v37 =	vld.idx.msk [tilespmem:v24+s23+$0x0], $0xffff  }
0x1c5: {  	v47 =	vld.idx.msk [tilespmem:v25+s23+$0x0], $0xffff  }
0x1c6: {  	v48 =	vld.idx.msk [tilespmem:v26+s23+$0x0], $0xffff  }
0x1c7: {  	v49 =	vld.idx.msk [tilespmem:v27+s23+$0x0], $0xffff  }
0x1c8: {  	v35 =	vmax.f32 v35, v63;
	v50 =	vmax.f32 v45, v46  }
0x1c9: {  	v35 =	vmax.f32 v35, v50  }
0x1ca: {  	[tilespmem:s24+$0x30] =	vst v35  }
0x1cb: {  	v35 =	vld.idx.msk [tilespmem:v28+s23+$0x200], $0xffff  }
0x1cc: {  	v37 =	vmax.f32 v37, v47;
	v52 =	vmax.f32 v48, v49;
	v51 =	vld.idx.msk [tilespmem:v29+s23+$0x200], $0xffff  }
0x1cd: {  	v37 =	vmax.f32 v37, v52;
	v53 =	vld.idx.msk [tilespmem:v30+s23+$0x200], $0xffff  }
0x1ce: {  	v54 =	vld.idx.msk [tilespmem:v31+s23+$0x200], $0xffff;
	[tilespmem:s24+$0xFFFFFF30] =	vst v37  }
0x1cf: {  	v37 =	vld.idx.msk [tilespmem:v28+s23+$0x0], $0xffff  }
0x1d0: {  	v55 =	vld.idx.msk [tilespmem:v29+s23+$0x0], $0xffff  }
0x1d1: {  	v56 =	vld.idx.msk [tilespmem:v30+s23+$0x0], $0xffff  }
0x1d2: {  	v57 =	vld.idx.msk [tilespmem:v31+s23+$0x0], $0xffff;
	_ =	sdelay $0x2  }
0x1d3: {  	v32 =	vmax.f32 v32, v33;
	p0 =	seq.s32 s20, $0x17  }
.Ltmp7:
0x1d4: {  	v32 =	vmax.f32 v34, v32;
	v58 =	vmax.f32 v35, v51;
	v59 =	vmax.f32 v53, v54;
	(pc) =	sbr.rel @p0 .LBB2_12-.Ltmp7, $4  }
0x1d5: {  	[tilespmem:s22+$0xFFFFFFB0] =	vst v32;
	v60 =	vmax.f32 v58, v59;
	v61 =	vmax.f32 v37, v55;
	v62 =	vmax.f32 v56, v57  }
0x1d6: {  	[tilespmem:s24+$0xB0] =	vst v60;
	v63 =	vmax.f32 v61, v62  }
0x1d7: {  	s21 =	sadd.s32 s21, s9;
	[tilespmem:s24+$0xFFFFFFB0] =	vst v63  }
0x1d8: {  	[hbm4b:s21+s3] =	stream.linear.scatter [tilespmem:s17], [sflag:$0x4], $0x4000, $0x38;
	[tilespmem:$0x18000] =	vst v63  }
.Ltmp8:
0x1d9: {  	s21 =	sshll.u32 s20, $0x10;
	(pc) =	sbr.rel .LBB2_2-.Ltmp8, $4  }
0x1da: {  	s21 =	sadd.s32 s21, s10  }
0x1db: {  	s21 =	sshrl.u32 s21, $0x3  }
0x1dc: {  	s20 =	sadd.s32 $0x1, s20;
	s21 =	sadd.s32 s1, s21  }
0x1dd: {  	[tilespmem:s12], [sflag:$0x2] =	stream.linear.gather [hbm4b:s21+s3], $0x8000, $0x38;
	[tilespmem:$0x18000] =	vst v63  }
.LBB2_13:
0x1de: {  	_ =	sfence.sel $0x180000  }
0x1df: {  	[bflag:$0x0] =	sbarrier.arrive $0xFFFF  }
0x1e0: {  	p0 =	sne.s32 s0, $0x0;
	_ =	strace $0x90000047  }
0x1e1: {  	s0 =	sadd.s32 @!p0 $0x100000, s2;
	[bflag:$0x2] =	sbarrier.arrive $0xFFFF  }
0x1e2: {  	[sflag:s0] =	ssyncadd.tile.s32 @!p0 $0x1;
	_ =	shalt  }
.Lfunc_end2:
_tile_overlayer_lowered:
.L_overlay_start_2:
0x1e3: {  	(tag) =	ssettag $0x2  }
0x1e4: {  	s0 =	rddreg [dreg:$0x0];
	s2 =	stileid.u32  }
0x1e5: {  	s1 =	rddreg [dreg:$0x1];
	p0 =	sne.s32 s2, $0x0  }
0x1e6: {  	s3 =	rddreg [dreg:$0x2];
	[bflag:$0x3] =	sbarrier.arrive $0xFFFF;
	s2 =	simm.s32 @!p0 $0x1C05  }
0x1e7: {  	[timem:s3], [sflag:s2] =	dma.local @!p0 [hbm:s0], s1  }
0x1e8: {  	s0 =	simm.s32 @!p0 $0x5  }
0x1e9: {  	_ =	swait.ge @!p0 [sflag:s0], s1  }
0x1ea: {  	s1 =	ssub.s32 @!p0 $0x0, s1;
	[sflag:s0] =	ssyncset.done @!p0 $0x0  }
0x1eb: {  	[sflag:s0] =	ssyncadd.s32 @!p0 s1  }
0x1ec: {  	[bflag:$0x3] =	sbarrier.arrive $0xFFFF  }
0x1ed: {  	_ =	shalt  }

// kernel: sparse-core-data-format-call.cloned.1.call-start
scs
called_computation_lowered:
.L_overlay_start_0:
0x0: {  	s2 =	sld [smem:$0x3FD9]  }
0x1: {  	s3 =	sld [smem:$0x3FFE];
	_ =	sdelay $0x1  }
0x2: {  	s1 =	srdreg.scid  }
0x3: {  	s0 =	sand.u32 $0x1, s1  }
0x4: {  	s18 =	sshll.u32 s0, $0xA;
	s2 =	sadd.s32 s3, s2  }
0x5: {  	s2 =	sadd.s32 s2, s18  }
0x6: {  	[smem:$0x3FC7] =	sst s2  }
0x7: {  	_ = 	snop  }
0x8: {  	s2 =	sld [smem:$0x3FD0];
	(tm) =	ssettm $0x1  }
0x9: {  	s19 =	sld [smem:$0x3FFB];
	_ =	sdelay $0x3  }
0xa: {  	_ =	strace s19  }
0xb: {  	s3 =	sld [smem:$0x3FFC];
	_ =	sdelay $0x3  }
0xc: {  	_ =	strace s3  }
0xd: {  	s3 =	sld [smem:$0x3FFD];
	_ =	sdelay $0x3  }
0xe: {  	_ =	strace s3  }
0xf: {  	_ =	strace $0x8FFFFFFF  }
0x10: {  	s20 =	sld [smem:$0x3FDB];
	_ =	sdelay $0x1  }
0x11: {  	s4 =	simm.s32 $_scs_section_size  }
0x12: {  	s5 =	simm.s32 $_size__tile_overlayer_lowered;
	s6 =	simm.s32 $_tile_overlayer_lowered  }
0x13: {  	s23 =	simm.s32 $0x1BFF;
	s22 =	sshll.u32 s6, $0x1;
	s3 =	sadd.s32 s4, s20  }
0x14: {  	s7 =	simm.s32 $0x0;
	s21 =	sshll.u32 s5, $0x1;
	s5 =	sadd.s32 s22, s3  }
0x15: {  	[timem:s7], [sflag:s23] =	dma.local [hbm:s5], s21  }
0x16: {  	_ =	swait.ge [sflag:s23], s21  }
0x17: {  	s4 =	ssub.s32 $0x0, s21;
	[sflag:s23] =	ssyncset.done $0x0  }
0x18: {  	[sflag:s23] =	ssyncadd.s32 s4;
	_ =	sdelay $0x1  }
0x19: {  	s24 =	simm.s32 $0x1B8B  }
0x1a: {  	_ =	swait.ge [sflag:s24], $0x1  }
0x1b: {  	[sflag:s24] =	ssyncset.done $0x0  }
0x1c: {  	s26 =	simm.s32 $0x1B8E;
	s25 =	sld [smem:$0x3FFE];
	[sflag:s24] =	ssyncadd.s32 $0xFFFFFFFF  }
0x1d: {  	s27 =	simm.s32 $execute0_lowered;
	[smem:$0x3FD2] =	sst s26  }
0x1e: {  	s5 =	sshll.u32 s27, $0x1;
	_ =	strace $0x80000049;
	[dreg:$0x1] =	wrdreg $0xFFFFFFFF  }
0x1f: {  	s28 =	simm.s32 $_size_execute0_lowered;
	s3 =	sadd.s32 s3, s5;
	[dreg:$0x0] =	wrdreg $0x0  }
0x20: {  	s5 =	sshll.u32 s28, $0x1;
	[dreg:$0x2] =	wrdreg s3  }
0x21: {  	[dreg:$0x3] =	wrdreg s5  }
0x22: {  	[dreg:$0x4] =	wrdreg $0xC0  }
0x23: {  	_ =	task [dreg:s7], $0x5FFFF  }
0x24: {  	[dreg:$0x1] =	wrdreg $0xFFFFFFFF  }
0x25: {  	[dreg:$0x0] =	wrdreg $0x60  }
0x26: {  	[dreg:$0x2] =	wrdreg s25  }
0x27: {  	[dreg:$0x3] =	wrdreg s2  }
0x28: {  	[dreg:$0x4] =	wrdreg $0x9  }
0x29: {  	_ =	task.clear_ibuf [dreg:s7], $0x5FFFF;
	_ =	strace $0x90000049  }
0x2a: {  	s29 =	simm.s32 $0x9;
	_ =	strace $0x8000004B  }
0x2b: {  	_ =	swait.ge [sflag:s29], $0x1  }
0x2c: {  	[sflag:s29] =	ssyncadd.s32 $0xFFFFFFFF  }
0x2d: {  	_ =	strace $0x9000004B  }
0x2e: {  	_ =	sfence  }
0x2f: {  	s30 =	sld [smem:$0x0];
	_ =	sdelay $0x2  }
0x30: {  	s31 =	sshll.u32 s1, $0xD;
	s1 =	sshrl.u32 s1, $0x2  }
0x31: {  	s3 =	sand.u32 $0x4000, s31;
	s1 =	sadd.s32 s1, s30  }
0x32: {  	s0 =	sor.u32 s3, s0;
	s1 =	sshll.u32 s1, $0x11  }
0x33: {  	s0 =	sor.u32 s1, s0  }
0x34: {  	s0 =	sadd.s32 $0x8F2B, s0  }
0x35: {  	[sflag:s0] =	ssyncadd.remote.s32 $0x1  }
0x36: {  	_ =	sfence.sel $0xFFFF  }
0x37: {  	[dreg:$0x0] =	wrdreg $0xFFFFFFFF;
	(pc) =	sbr.abs _section_cstart, $3  }
0x38: {  	[dreg:$0x1] =	wrdreg $0xFFFFFFFF  }
0x39: {  	_ =	task.clear_ibuf [dreg:s7], $0x2FFFF;
	_ =	strace $0x9FFFFFFF  }
0x3a: {  	(tm) =	ssettm $0x7FFFFFFF  }
0x3b: {  	_ =	shalt  }
tec
execute0_lowered:
.L_overlay_start_1:
0x0: {  	(tag) =	ssettag $0x1  }
0x1: {  	s5 =	rddreg [dreg:$0x0];
	s0 =	srdreg.scid  }
0x2: {  	s2 =	rddreg [dreg:$0x1];
	s1 =	stileid.u32;
	s31 =	simm.s32 $0x2  }
0x3: {  	s16 =	simm.s32 $0x0;
	p0 =	por $0x0, $0x0;
	s11 =	simm.s32 $0x400  }
0x4: {  	s12 =	simm.s32 $0x800;
	s17 =	simm.s32 $0x0;
	s18 =	simm.s32 $0x0  }
0x5: {  	s15 =	simm.s32 $0x0;
	s3 =	sshll.u32 s0, $0x7;
	s4 =	sshrl.u32 s1, $0x2  }
0x6: {  	s0 =	rddreg [dreg:$0x2];
	s3 =	sand.u32 $0x80, s3;
	s4 =	sand.u32 $0x2, s4  }
0x7: {  	_ =	strace $0x8000004A;
	s6 =	sshll.u32 s3, $0x4;
	s29 =	ssub.s32 $0x60, s4  }
0x8: {  	s30 =	ssub.s32 $0x100, s3;
	s9 =	sadd.s32 s6, s5;
	s7 =	sshrl.u32 s29, $0x2  }
0x9: {  	s5 =	sshrl.u32 s29, $0x1;
	s8 =	sshrl.u32 s30, $0x7;
	s6 =	sshrl.u32 s30, $0x8  }
.Ltmp0:
0xa: {  	s10 =	sand.u32 $0x1, s5;
	s8 =	sand.u32 $0x1, s8;
	(pc) =	sbr.rel .LBB1_1-.Ltmp0, $4  }
0xb: {  	s5 =	simm.s32 $0x1;
	s7 =	sadd.s32 s7, s10;
	s6 =	sadd.s32 s6, s8  }
0xc: {  	s13 =	smov.u32 s4;
	[sflag:s5] =	ssyncpa.u1 $0x0;
	s6 =	smul.u32 s7, s6  }
0xd: {  	s8 =	sadd.s32 $0x800, s9;
	s9 =	sadd.s32 $0x1800, s9;
	s7 =	sand.u32 $0x7, s1  }
0xe: {  	[sflag:s31] =	ssyncpa.u1 $0x0;
	s14 =	smov.u32 s7;
	s10 =	sadd.s32 $0x1, s6  }
.LBB1_7:
0xf: {  	s19 =	sadd.s32 $0x4, s13  }
0x10: {  	s17 =	sadd.s32 $0x8, s14;
	s20 =	smov.u32 s14;
	p2 =	sgt.s32 s19, $0x5F  }
0x11: {  	s20 =	smov.u32 @p2 s17  }
0x12: {  	s19 =	smov.u32 @p2 s4;
	p2 =	sgt.s32 s20, $0x7  }
0x13: {  	s20 =	smov.u32 @p2 s7;
	p2 =	sne.s32 s15, s10  }
.Ltmp1:
0x14: {  	p1 =	slt.u32 s15, $0x2;
	(pc) =	sbr.rel @!p2 .LBB1_8-.Ltmp1, $4  }
0x15: {  	s18 =	smov.u32 s14;
	s16 =	simm.s32 @!p1 $0x2  }
0x16: {  	p0 =	por !p0, !p0;
	_ =	swait.ge @!p1 [sflag:s16], $0x4000;
	s17 =	smov.u32 s13  }
0x17: {  	[sflag:s16] =	ssyncset.done @!p1 $0x0;
	s13 =	smov.u32 s19;
	s15 =	sadd.s32 $0x1, s15  }
0x18: {  	[sflag:s16] =	ssyncadd.s32 @!p1 $0xFFFFC000;
	s16 =	smov.u32 s3;
	s14 =	smov.u32 s20  }
.LBB1_1:
0x19: {  	p1 =	sge.u32 s15, s6  }
0x1a: {  	s20 =	smul.u32 @!p1 $0x60000, s14  }
0x1b: {  	s19 =	sxor.u32 @!p1 $0xFFFFFFFF, s15;
	s21 =	sshll.u32 @!p1 s13, $0xC;
	s23 =	simm.s32 @!p1 $0x40  }
0x1c: {  	s24 =	simm.s32 @!p1 $0x80;
	s19 =	sshll.u32 @!p1 s19, $0xE;
	s22 =	sadd.s32 @!p1 s20, s21  }
0x1d: {  	s19 =	sand.u32 @!p1 $0x4000, s19;
	s20 =	sadd.s32 @!p1 s20, s9;
	s22 =	sadd.s32 @!p1 s8, s22  }
0x1e: {  	[tilespmem:s19], [sflag:$0x1] =	stream.strided.gather @!p1 [hbm4b:s22+s23], $0x2000, s24, s23, $0x38;
	[tilespmem:$0x10100] =	vst v63  }
0x1f: {  	s31 =	sadd.s32 $0xFFFFFFFF, s15;
	s20 =	sadd.s32 @!p1 s21, s20;
	s19 =	sor.u32 @!p1 $0x2000, s19  }
0x20: {  	[tilespmem:s19], [sflag:$0x1] =	stream.strided.gather @!p1 [hbm4b:s20+s23], $0x2000, s24, s23, $0x38;
	[tilespmem:$0x10100] =	vst v63  }
0x21: {  	p1 =	sge.u32 s31, s6  }
.Ltmp2:
0x22: {  	_ = 	snop;
	(pc) =	sbr.rel @p1 .LBB1_7-.Ltmp2, $1  }
0x23: {  	_ =	sdelay $0x3  }
0x24: {  	s19 =	simm.s32 $0x1;
	s21 =	sand.u32 $0x1, s15  }
0x25: {  	_ =	swait.ge [sflag:s5], $0x4000;
	s19 =	simm.s32 @!p0 $0x0;
	s21 =	smul.u32 $0x10200, s21  }
0x26: {  	p2 =	por $0x1, $0x1;
	[sflag:s5] =	ssyncset.done $0x0;
	s20 =	smul.u32 $0x10200, s19  }
0x27: {  	s22 =	sshll.u32 s19, $0x10;
	[sflag:s5] =	ssyncadd.s32 $0xFFFFC000;
	s30 =	sshrl.u32 s21, $0x2  }
0x28: {  	s31 =	sshrl.u32 s22, $0x2;
	s22 =	simm.s32 $0x0;
	s20 =	sshrl.u32 s20, $0x2  }
0x29: {  	s19 =	sor.u32 $0x8000, s30;
	s21 =	sadd.s32 $0x20, s31;
	s20 =	sor.u32 $0x8000, s20  }
.LBB1_3:
0x2a: {  	s23 =	sshll.u32 s22, $0xD  }
0x2b: {  	s23 =	sand.u32 $0x3FFFE000, s23  }
0x2c: {  	s25 =	sadd.s32 s23, s21  }
0x2d: {  	s31 =	smul.u32 $0x8100, s22;
	v3 =	vld [tilespmem:s25+$0x10]  }
0x2e: {  	v1 =	vld [tilespmem:s25+$0xFFFFFFF0]  }
0x2f: {  	s22 =	sshra.s32 s31, $0x2;
	v0 =	vld [tilespmem:s25+$0x0]  }
0x30: {  	s22 =	sadd.s32 s22, s20;
	v2 =	vld [tilespmem:s25+$0xFFFFFFE0]  }
0x31: {  	s23 =	sadd.s32 $0x0, s22  }
0x32: {  	p1 =	por p2, p2;
	s24 =	simm.s32 $0x4;
	s25 =	sadd.s32 $0x40, s25;
	[tilespmem:s23+$0x1830 ss:$0x81] =	vst.msk $0xffff, v3  }
.LBB1_4:
0x33: {  	v3 =	vld [tilespmem:s25+$0x10];
	p2 =	sne.s32 s24, $0x1FC;
	[tilespmem:s23+$0x810 ss:$0x81] =	vst.msk $0xffff, v1;
	s26 =	smov.u32 s24;
	s24 =	sadd.s32 $0x4, s24  }
.Ltmp3:
0x34: {  	v1 =	vld [tilespmem:s25+$0xFFFFFFF0];
	[tilespmem:s23+$0x1020 ss:$0x81] =	vst.msk $0xffff, v0;
	(pc) =	sbr.rel @p2 .LBB1_4-.Ltmp3, $4  }
0x35: {  	v0 =	vld [tilespmem:s25+$0x0];
	[tilespmem:s23+$0x0 ss:$0x81] =	vst.msk $0xffff, v2  }
0x36: {  	s23 =	sshra.s32 s26, $0x2;
	v2 =	vld [tilespmem:s25+$0xFFFFFFE0]  }
0x37: {  	s23 =	sadd.s32 s23, s22  }
0x38: {  	s25 =	sadd.s32 $0x40, s25;
	[tilespmem:s23+$0x1830 ss:$0x81] =	vst.msk $0xffff, v3  }
.Ltmp4:
0x39: {  	(pc) =	sbr.rel @p1 .LBB1_3-.Ltmp4, $4  }
0x3a: {  	_ = 	snop  }
0x3b: {  	[tilespmem:s23+$0x810 ss:$0x81] =	vst.msk $0xffff, v1  }
0x3c: {  	[tilespmem:s23+$0x1020 ss:$0x81] =	vst.msk $0xffff, v0  }
0x3d: {  	s22 =	simm.s32 $0x1;
	p2 =	por $0x0, $0x0;
	[tilespmem:s23+$0x0 ss:$0x81] =	vst.msk $0xffff, v2  }
0x3e: {  	s18 =	smul.u32 $0x30000, s18  }
.Ltmp5:
0x3f: {  	_ = 	snop;
	(pc) =	sbr.rel .LBB1_7-.Ltmp5, $4  }
0x40: {  	s17 =	sshll.u32 s17, $0xB;
	s18 =	sadd.s32 s2, s18  }
0x41: {  	s17 =	sadd.s32 s17, s18  }
0x42: {  	s16 =	sadd.s32 s16, s17  }
0x43: {  	[hbm4b:s16+s11] =	stream.strided.scatter [tilespmem:s19], [sflag:$0x2], $0x4000, s12, s11, $0x20;
	[tilespmem:$0x10100] =	vst v63  }
.LBB1_8:
0x44: {  	_ =	sfence.sel $0x180000  }
0x45: {  	s2 =	simm.s32 $0x1;
	[bflag:$0x0] =	sbarrier.arrive $0xFFFF  }
0x46: {  	s31 =	simm.s32 $0x2;
	[sflag:s2] =	ssyncpa.u1 $0x1  }
0x47: {  	[sflag:s31] =	ssyncpa.u1 $0x1  }
0x48: {  	p0 =	sne.s32 s1, $0x0;
	_ =	strace $0x9000004A  }
0x49: {  	s0 =	sadd.s32 @!p0 $0x100000, s0;
	[bflag:$0x2] =	sbarrier.arrive $0xFFFF  }
0x4a: {  	[sflag:s0] =	ssyncadd.tile.s32 @!p0 $0x1;
	_ =	shalt  }
.Lfunc_end1:
_tile_overlayer_lowered:
.L_overlay_start_2:
0x4b: {  	(tag) =	ssettag $0x2  }
0x4c: {  	s0 =	rddreg [dreg:$0x0];
	s2 =	stileid.u32  }
0x4d: {  	s1 =	rddreg [dreg:$0x1];
	p0 =	sne.s32 s2, $0x0  }
0x4e: {  	s3 =	rddreg [dreg:$0x2];
	[bflag:$0x3] =	sbarrier.arrive $0xFFFF;
	s2 =	simm.s32 @!p0 $0x1C01  }
0x4f: {  	[timem:s3], [sflag:s2] =	dma.local @!p0 [hbm:s0], s1  }
0x50: {  	s0 =	simm.s32 @!p0 $0x1  }
0x51: {  	_ =	swait.ge @!p0 [sflag:s0], s1  }
0x52: {  	s1 =	ssub.s32 @!p0 $0x0, s1;
	[sflag:s0] =	ssyncset.done @!p0 $0x0  }
0x53: {  	[sflag:s0] =	ssyncadd.s32 @!p0 s1  }
0x54: {  	[bflag:$0x3] =	sbarrier.arrive $0xFFFF  }
0x55: {  	_ =	shalt  }

</sc_bundles>
